<compile_context>
chip_gen: v7x
topology: tpu7x:2x2x1
jax: 0.10.2.dev20260603
libtpu: 0.0.44.dev20260713+nightly
codegen_flags: <defaults>
</compile_context>

<pallas_src>
import functools

import jax
import jax.numpy as jnp
from jax import lax
from jax.experimental import pallas as pl
from jax.experimental.pallas import tpu as pltpu
from jax.experimental.pallas import tpu_sc as plsc

N = 1024
C = 64
D = 16
NF = 4
CF = C * NF
W = 128
P_PAD = 16
C_OUT = 64
BLK = 128

_NC, _NS = 2, 16
_NW = _NC * _NS
_RPW = (N * D) // _NW
_JCH = _RPW // 128


def _sc_gather_body(conn_ref, tab_ref, g_out, idx_v, idx2_v, g_v, sem):
    wid = lax.axis_index("s") * _NC + lax.axis_index("c")
    pltpu.sync_copy(conn_ref.at[pl.ds(wid * _JCH, _JCH)], idx_v)
    nbase = (wid % 2) * _RPW
    lanes = lax.iota(jnp.int32, 16)
    for i in range(_RPW // 16):
        j, q = divmod(i, 8)
        chunk = idx_v[j, pl.ds(q * 16, 16)]
        nodes = nbase + i * 16 + lanes
        idx2_v[j, pl.ds(q * 16, 16)] = jnp.where(
            chunk == nodes, jnp.int32(N), chunk)
    copies = []
    for j in range(_JCH):
        copies.append(pltpu.async_copy(
            tab_ref.at[idx2_v.at[j]], g_v.at[pl.ds(j * 128, 128)], sem))
    for cp in copies:
        cp.wait()
    pltpu.sync_copy(g_v, g_out.at[pl.ds(wid * _RPW, _RPW)])


def _tc_body(g_ref, ps_ref, fs_ref, wd_ref, bd_ref, wf_ref, bf_ref, out_ref):
    ps = ps_ref[...]
    wd = wd_ref[...]
    bd = bd_ref[...]
    acc = jnp.zeros((BLK, CF), jnp.float32)
    for d in range(D):
        row = g_ref[d]
        dirv = row[:, C:C + P_PAD] - ps
        aff = jnp.maximum(
            jnp.dot(dirv, wd, preferred_element_type=jnp.float32) + bd, 0.0)
        fg = row[:, :C]
        stacked = jnp.concatenate([fg] * NF, axis=1)
        acc = acc + stacked * aff
    fs = fs_ref[...]
    acc = acc + jnp.concatenate([fs] * NF, axis=1) * jnp.maximum(bd, 0.0)
    out = jnp.maximum(
        jnp.dot(acc, wf_ref[...], preferred_element_type=jnp.float32)
        + bf_ref[...], 0.0)
    out_ref[...] = out


def kernel(node_feats, node_connections, node_positions, Wd, bd, Wf, bf):
    f32 = jnp.float32
    feats = node_feats[0].astype(f32)
    pos = node_positions[0].astype(f32)
    conn = node_connections.astype(jnp.int32)

    pos_tab = jnp.pad(pos, ((0, 0), (0, P_PAD - pos.shape[1])))
    tab = jnp.concatenate(
        [feats, pos_tab, jnp.zeros((N, W - C - P_PAD), f32)], axis=1)
    tab = jnp.concatenate([tab, jnp.zeros((8, W), f32)], axis=0)
    conn_dmaj = conn.T.reshape(-1, 128)

    mesh = plsc.VectorSubcoreMesh(core_axis_name="c", subcore_axis_name="s")
    sc_gather = functools.partial(
        pl.kernel, mesh=mesh,
        out_type=jax.ShapeDtypeStruct((N * D, W), f32),
        scratch_types=[pltpu.VMEM((_JCH, 128), jnp.int32),
                       pltpu.VMEM((_JCH, 128), jnp.int32),
                       pltpu.VMEM((_RPW, W), f32),
                       pltpu.SemaphoreType.DMA],
    )(_sc_gather_body)
    g = sc_gather(conn_dmaj, tab)

    g3 = g.reshape(D, N, W)
    wd_p = jnp.pad(Wd.T.astype(f32), ((0, P_PAD - Wd.shape[1]), (0, 0)))
    bd2 = bd.astype(f32).reshape(1, CF)
    wf_t = Wf.T.astype(f32)
    bf2 = bf.astype(f32).reshape(1, C_OUT)

    out = pl.pallas_call(
        _tc_body,
        grid=(N // BLK,),
        in_specs=[
            pl.BlockSpec((D, BLK, W), lambda i: (0, i, 0)),
            pl.BlockSpec((BLK, P_PAD), lambda i: (i, 0)),
            pl.BlockSpec((BLK, C), lambda i: (i, 0)),
            pl.BlockSpec((P_PAD, CF), lambda i: (0, 0)),
            pl.BlockSpec((1, CF), lambda i: (0, 0)),
            pl.BlockSpec((CF, C_OUT), lambda i: (0, 0)),
            pl.BlockSpec((1, C_OUT), lambda i: (0, 0)),
        ],
        out_specs=pl.BlockSpec((BLK, C_OUT), lambda i: (i, 0)),
        out_shape=jax.ShapeDtypeStruct((N, C_OUT), f32),
        compiler_params=pltpu.CompilerParams(
            dimension_semantics=("arbitrary",)),
    )(g3, pos_tab, feats, wd_p, bd2, wf_t, bf2)
    return out[None]

# --- scband reference (transcript-rebuilt; emitter-appended) ---
"""Pipeline reference for scband-sgcnlayer-86723979640941 (READ-ONLY COPY).

The authoritative reference and input builder live on the scoring server;
editing this copy changes nothing except your own understanding.
"""

import jax, jax.numpy as jnp
import numpy as np

B, N, C, NF, P, D, C_OUT = 1, 1024, 64, 4, 3, 16, 64


def setup_inputs(seed: int = 0) -> dict:
    key = jax.random.key(seed)
    k1, k2, k3, k4, k5, k6, k7 = jax.random.split(key, 7)
    node_feats = jax.random.normal(k1, (B, N, C), dtype=jnp.float32)
    node_connections = jax.random.randint(k2, (N, D), 0, N, dtype=jnp.int64 if jax.config.jax_enable_x64 else jnp.int32)
    node_positions = jax.random.normal(k3, (B, N, P), dtype=jnp.float32)
    cf = C * NF
    # nn.Linear(3, c_in*n_filters)
    Wd = (jax.random.uniform(k4, (cf, 3), dtype=jnp.float32) * 2 - 1) / np.sqrt(3.0)
    bd = (jax.random.uniform(k5, (cf,), dtype=jnp.float32) * 2 - 1) / np.sqrt(3.0)
    # nn.Linear(c_in*n_filters, c_out)
    Wf = (jax.random.uniform(k6, (C_OUT, cf), dtype=jnp.float32) * 2 - 1) / np.sqrt(cf)
    bf = (jax.random.uniform(k7, (C_OUT,), dtype=jnp.float32) * 2 - 1) / np.sqrt(cf)
    return {
        "node_feats": node_feats,
        "node_connections": node_connections,
        "node_positions": node_positions,
        "Wd": Wd,
        "bd": bd,
        "Wf": Wf,
        "bf": bf,
    }


def reference(node_feats, node_connections, node_positions, Wd, bd, Wf, bf):
    # node_feats: [B, N, C]; node_positions: [B, N, 3]; node_connections: [N, D]
    b, n, c = node_feats.shape
    nf = Wd.shape[0] // c
    conn = node_connections
    # gather neighbor positions/features: [B, N, D, *]
    pos_nb = node_positions[:, conn, :]                      # [B, N, D, 3]
    direction = pos_nb - node_positions[:, :, None, :]       # pos_other - pos_this
    aff_dir = jax.nn.relu(jnp.einsum('bndp,fp->bndf', direction, Wd) + bd)  # [B, N, D, C*NF]
    feats_nb = node_feats[:, conn, :]                        # [B, N, D, C]
    stacked_nb = jnp.tile(feats_nb, (1, 1, 1, nf))           # [B, N, D, C*NF]
    # skip self-connections listed in node_connections (con == node_id)
    mask = (conn != jnp.arange(n)[:, None]).astype(node_feats.dtype)  # [N, D]
    agg = jnp.sum(stacked_nb * aff_dir * mask[None, :, :, None], axis=2)  # [B, N, C*NF]
    # self term: direction = 0 -> relu(bd)
    aff_self = jax.nn.relu(bd)                               # [C*NF]
    agg = agg + jnp.tile(node_feats, (1, 1, nf)) * aff_self[None, None, :]
    out = jax.nn.relu(jnp.einsum('bnf,of->bno', agg, Wf) + bf)  # [B, N, c_out]
    return out

if __name__ == "__main__":
    import jax
    _d = setup_inputs()
    print(jax.jit(kernel)(*tuple(_d.values())))

</pallas_src>

<mosaic_0001>
#map = affine_map<(d0, d1) -> (0, 0)>
module attributes {stable_mosaic.version = 14 : i64} {
  func.func @_sc_gather_body(%arg0: i32, %arg1: i32, %arg2: memref<128x128xi32, #tpu.memory_space<hbm>>, %arg3: memref<1032x128xf32, #tpu.memory_space<hbm>>, %arg4: memref<16384x128xf32, #tpu.memory_space<hbm>>, %arg5: memref<4x128xi32, #tpu.memory_space<vmem>>, %arg6: memref<4x128xi32, #tpu.memory_space<vmem>>, %arg7: memref<512x128xf32, #tpu.memory_space<vmem>>, %arg8: memref<!tpu.dma_semaphore, #tpu.memory_space<semaphore_mem>>) attributes {dimension_semantics = [#tpu.dimension_semantics<core_parallel>, #tpu.dimension_semantics<subcore_parallel>], iteration_bounds = array<i64: 2, 16>, scalar_prefetch = 0 : i64, scratch_operands = 4 : i64, tpu.core_type = #tpu.core_type<sc_vector_subcore>, window_params = [{transform_indices = #map}, {transform_indices = #map}, {transform_indices = #map}]} {
    %mul3A = arith.constant 2 : i32
    %mul3A_0 = arith.muli %arg1, %mul3A : i32
    %add3A = arith.addi %mul3A_0, %arg0 : i32
    %mul3A_1 = arith.constant 4 : i32
    %mul3A_2 = arith.muli %add3A, %mul3A_1 : i32
    "tpu.region"() ({
      %run_scoped3A = tpu.sem_alloc : memref<!tpu.dma_semaphore, #tpu.memory_space<semaphore_mem>>
      %dma_start3A_699 = arith.constant 0 : i32
      %dma_start3A_700 = tpu.memref_slice %arg2[%mul3A_2, %dma_start3A_699] : memref<128x128xi32, #tpu.memory_space<hbm>> -> memref<4x128xi32, #tpu.memory_space<hbm>>
      %dma_start3A_701 = arith.constant 0 : i32
      %dma_start3A_702 = tpu.memref_slice %arg2[%mul3A_2, %dma_start3A_701] : memref<128x128xi32, #tpu.memory_space<hbm>> -> memref<4x128xi32, #tpu.memory_space<hbm>>
      tpu.enqueue_dma source(%dma_start3A_702 : memref<4x128xi32, #tpu.memory_space<hbm>>) target(%arg5 : memref<4x128xi32, #tpu.memory_space<vmem>>) target_semaphore(%run_scoped3A : memref<!tpu.dma_semaphore, #tpu.memory_space<semaphore_mem>>)
      %dma_wait3A_703 = arith.constant 0 : i32
      %dma_wait3A_704 = tpu.memref_slice %arg2[%mul3A_2, %dma_wait3A_703] : memref<128x128xi32, #tpu.memory_space<hbm>> -> memref<4x128xi32, #tpu.memory_space<hbm>>
      %dma_wait3A_705 = arith.constant 0 : i32
      %dma_wait3A_706 = tpu.memref_slice %arg2[%mul3A_2, %dma_wait3A_705] : memref<128x128xi32, #tpu.memory_space<hbm>> -> memref<4x128xi32, #tpu.memory_space<hbm>>
      tpu.wait_dma2 semaphore(%run_scoped3A : memref<!tpu.dma_semaphore, #tpu.memory_space<semaphore_mem>>) src(%dma_wait3A_706 : memref<4x128xi32, #tpu.memory_space<hbm>>) dst(%arg5 : memref<4x128xi32, #tpu.memory_space<vmem>>)
      tpu.yield
    }) : () -> ()
    %jit3A = arith.constant 2 : i32
    %eq3A = arith.constant 0 : i32
    %eq3A_3 = arith.cmpi eq, %jit3A, %eq3A : i32
    %jit3A_4 = arith.constant 1 : i32
    %select_n3A = arith.select %eq3A_3, %jit3A_4, %jit3A : i32
    %rem3A = arith.remsi %add3A, %select_n3A : i32
    %ne3A = arith.constant 0 : i32
    %ne3A_5 = arith.cmpi ne, %rem3A, %ne3A : i32
    %lt3A = arith.constant 0 : i32
    %lt3A_6 = arith.cmpi slt, %rem3A, %lt3A : i32
    %lt3A_7 = arith.constant 0 : i32
    %lt3A_8 = arith.cmpi slt, %select_n3A, %lt3A_7 : i32
    %ne3A_9 = arith.xori %lt3A_6, %lt3A_8 : i1
    %and3A = arith.andi %ne3A_9, %ne3A_5 : i1
    %add3A_10 = arith.addi %rem3A, %select_n3A : i32
    %select_n3A_11 = arith.select %and3A, %add3A_10, %rem3A : i32
    %mul3A_12 = arith.constant 512 : i32
    %mul3A_13 = arith.muli %select_n3A_11, %mul3A_12 : i32
    %iota3A = tpu.iota {dimensions = array<i32: 0>} : vector<16xi32>
    %get3A = arith.constant 0 : i32
    %get3A_14 = arith.index_cast %get3A : i32 to index
    %get3A_15 = arith.constant 0 : index
    %get3A_16 = tpu.vector_load %arg5[%get3A_14, %get3A_15] {strides = array<i32>} : memref<4x128xi32, #tpu.memory_space<vmem>>, vector<1x16xi32>,
    %get3A_17 = vector.shape_cast %get3A_16 : vector<1x16xi32> to vector<16xi32>
    %add3A_18 = arith.constant 0 : i32
    %add3A_19 = arith.addi %mul3A_13, %add3A_18 : i32
    %add3A_20 = vector.broadcast %add3A_19 : i32 to vector<16xi32>
    %add3A_21 = arith.addi %add3A_20, %iota3A : vector<16xi32>
    %eq3A_22 = arith.cmpi eq, %get3A_17, %add3A_21 : vector<16xi32>
    %jit3A_23 = arith.constant 1024 : i32
    %broadcast_in_dim3A = vector.broadcast %jit3A_23 : i32 to vector<16xi32>
    %select_n3A_24 = arith.select %eq3A_22, %broadcast_in_dim3A, %get3A_17 : vector<16xi1>, vector<16xi32>
    %swap3A = arith.constant 0 : i32
    %swap3A_25 = arith.index_cast %swap3A : i32 to index
    %swap3A_26 = arith.constant 0 : index
    %swap3A_27 = tpu.vector_load %arg6[%swap3A_25, %swap3A_26] {strides = array<i32>} : memref<4x128xi32, #tpu.memory_space<vmem>>, vector<1x16xi32>,
    %swap3A_28 = vector.shape_cast %swap3A_27 : vector<1x16xi32> to vector<16xi32>
    %swap3A_29 = vector.shape_cast %select_n3A_24 : vector<16xi32> to vector<1x16xi32>
    tpu.vector_store %arg6[%swap3A_25, %swap3A_26], %swap3A_29 {strides = array<i32>} : memref<4x128xi32, #tpu.memory_space<vmem>>, vector<1x16xi32>,
    %get3A_30 = arith.constant 0 : i32
    %get3A_31 = arith.index_cast %get3A_30 : i32 to index
    %get3A_32 = arith.constant 16 : index
    %get3A_33 = tpu.vector_load %arg5[%get3A_31, %get3A_32] {strides = array<i32>} : memref<4x128xi32, #tpu.memory_space<vmem>>, vector<1x16xi32>,
    %get3A_34 = vector.shape_cast %get3A_33 : vector<1x16xi32> to vector<16xi32>
    %add3A_35 = arith.constant 16 : i32
    %add3A_36 = arith.addi %mul3A_13, %add3A_35 : i32
    %add3A_37 = vector.broadcast %add3A_36 : i32 to vector<16xi32>
    %add3A_38 = arith.addi %add3A_37, %iota3A : vector<16xi32>
    %eq3A_39 = arith.cmpi eq, %get3A_34, %add3A_38 : vector<16xi32>
    %jit3A_40 = arith.constant 1024 : i32
    %broadcast_in_dim3A_41 = vector.broadcast %jit3A_40 : i32 to vector<16xi32>
    %select_n3A_42 = arith.select %eq3A_39, %broadcast_in_dim3A_41, %get3A_34 : vector<16xi1>, vector<16xi32>
    %swap3A_43 = arith.constant 0 : i32
    %swap3A_44 = arith.index_cast %swap3A_43 : i32 to index
    %swap3A_45 = arith.constant 16 : index
    %swap3A_46 = tpu.vector_load %arg6[%swap3A_44, %swap3A_45] {strides = array<i32>} : memref<4x128xi32, #tpu.memory_space<vmem>>, vector<1x16xi32>,
    %swap3A_47 = vector.shape_cast %swap3A_46 : vector<1x16xi32> to vector<16xi32>
    %swap3A_48 = vector.shape_cast %select_n3A_42 : vector<16xi32> to vector<1x16xi32>
    tpu.vector_store %arg6[%swap3A_44, %swap3A_45], %swap3A_48 {strides = array<i32>} : memref<4x128xi32, #tpu.memory_space<vmem>>, vector<1x16xi32>,
    %get3A_49 = arith.constant 0 : i32
    %get3A_50 = arith.index_cast %get3A_49 : i32 to index
    %get3A_51 = arith.constant 32 : index
    %get3A_52 = tpu.vector_load %arg5[%get3A_50, %get3A_51] {strides = array<i32>} : memref<4x128xi32, #tpu.memory_space<vmem>>, vector<1x16xi32>,
    %get3A_53 = vector.shape_cast %get3A_52 : vector<1x16xi32> to vector<16xi32>
    %add3A_54 = arith.constant 32 : i32
    %add3A_55 = arith.addi %mul3A_13, %add3A_54 : i32
    %add3A_56 = vector.broadcast %add3A_55 : i32 to vector<16xi32>
    %add3A_57 = arith.addi %add3A_56, %iota3A : vector<16xi32>
    %eq3A_58 = arith.cmpi eq, %get3A_53, %add3A_57 : vector<16xi32>
    %jit3A_59 = arith.constant 1024 : i32
    %broadcast_in_dim3A_60 = vector.broadcast %jit3A_59 : i32 to vector<16xi32>
    %select_n3A_61 = arith.select %eq3A_58, %broadcast_in_dim3A_60, %get3A_53 : vector<16xi1>, vector<16xi32>
    %swap3A_62 = arith.constant 0 : i32
    %swap3A_63 = arith.index_cast %swap3A_62 : i32 to index
    %swap3A_64 = arith.constant 32 : index
    %swap3A_65 = tpu.vector_load %arg6[%swap3A_63, %swap3A_64] {strides = array<i32>} : memref<4x128xi32, #tpu.memory_space<vmem>>, vector<1x16xi32>,
    %swap3A_66 = vector.shape_cast %swap3A_65 : vector<1x16xi32> to vector<16xi32>
    %swap3A_67 = vector.shape_cast %select_n3A_61 : vector<16xi32> to vector<1x16xi32>
    tpu.vector_store %arg6[%swap3A_63, %swap3A_64], %swap3A_67 {strides = array<i32>} : memref<4x128xi32, #tpu.memory_space<vmem>>, vector<1x16xi32>,
    %get3A_68 = arith.constant 0 : i32
    %get3A_69 = arith.index_cast %get3A_68 : i32 to index
    %get3A_70 = arith.constant 48 : index
    %get3A_71 = tpu.vector_load %arg5[%get3A_69, %get3A_70] {strides = array<i32>} : memref<4x128xi32, #tpu.memory_space<vmem>>, vector<1x16xi32>,
    %get3A_72 = vector.shape_cast %get3A_71 : vector<1x16xi32> to vector<16xi32>
    %add3A_73 = arith.constant 48 : i32
    %add3A_74 = arith.addi %mul3A_13, %add3A_73 : i32
    %add3A_75 = vector.broadcast %add3A_74 : i32 to vector<16xi32>
    %add3A_76 = arith.addi %add3A_75, %iota3A : vector<16xi32>
    %eq3A_77 = arith.cmpi eq, %get3A_72, %add3A_76 : vector<16xi32>
    %jit3A_78 = arith.constant 1024 : i32
    %broadcast_in_dim3A_79 = vector.broadcast %jit3A_78 : i32 to vector<16xi32>
    %select_n3A_80 = arith.select %eq3A_77, %broadcast_in_dim3A_79, %get3A_72 : vector<16xi1>, vector<16xi32>
    %swap3A_81 = arith.constant 0 : i32
    %swap3A_82 = arith.index_cast %swap3A_81 : i32 to index
    %swap3A_83 = arith.constant 48 : index
    %swap3A_84 = tpu.vector_load %arg6[%swap3A_82, %swap3A_83] {strides = array<i32>} : memref<4x128xi32, #tpu.memory_space<vmem>>, vector<1x16xi32>,
    %swap3A_85 = vector.shape_cast %swap3A_84 : vector<1x16xi32> to vector<16xi32>
    %swap3A_86 = vector.shape_cast %select_n3A_80 : vector<16xi32> to vector<1x16xi32>
    tpu.vector_store %arg6[%swap3A_82, %swap3A_83], %swap3A_86 {strides = array<i32>} : memref<4x128xi32, #tpu.memory_space<vmem>>, vector<1x16xi32>,
    %get3A_87 = arith.constant 0 : i32
    %get3A_88 = arith.index_cast %get3A_87 : i32 to index
    %get3A_89 = arith.constant 64 : index
    %get3A_90 = tpu.vector_load %arg5[%get3A_88, %get3A_89] {strides = array<i32>} : memref<4x128xi32, #tpu.memory_space<vmem>>, vector<1x16xi32>,
    %get3A_91 = vector.shape_cast %get3A_90 : vector<1x16xi32> to vector<16xi32>
    %add3A_92 = arith.constant 64 : i32
    %add3A_93 = arith.addi %mul3A_13, %add3A_92 : i32
    %add3A_94 = vector.broadcast %add3A_93 : i32 to vector<16xi32>
    %add3A_95 = arith.addi %add3A_94, %iota3A : vector<16xi32>
    %eq3A_96 = arith.cmpi eq, %get3A_91, %add3A_95 : vector<16xi32>
    %jit3A_97 = arith.constant 1024 : i32
    %broadcast_in_dim3A_98 = vector.broadcast %jit3A_97 : i32 to vector<16xi32>
    %select_n3A_99 = arith.select %eq3A_96, %broadcast_in_dim3A_98, %get3A_91 : vector<16xi1>, vector<16xi32>
    %swap3A_100 = arith.constant 0 : i32
    %swap3A_101 = arith.index_cast %swap3A_100 : i32 to index
    %swap3A_102 = arith.constant 64 : index
    %swap3A_103 = tpu.vector_load %arg6[%swap3A_101, %swap3A_102] {strides = array<i32>} : memref<4x128xi32, #tpu.memory_space<vmem>>, vector<1x16xi32>,
    %swap3A_104 = vector.shape_cast %swap3A_103 : vector<1x16xi32> to vector<16xi32>
    %swap3A_105 = vector.shape_cast %select_n3A_99 : vector<16xi32> to vector<1x16xi32>
    tpu.vector_store %arg6[%swap3A_101, %swap3A_102], %swap3A_105 {strides = array<i32>} : memref<4x128xi32, #tpu.memory_space<vmem>>, vector<1x16xi32>,
    %get3A_106 = arith.constant 0 : i32
    %get3A_107 = arith.index_cast %get3A_106 : i32 to index
    %get3A_108 = arith.constant 80 : index
    %get3A_109 = tpu.vector_load %arg5[%get3A_107, %get3A_108] {strides = array<i32>} : memref<4x128xi32, #tpu.memory_space<vmem>>, vector<1x16xi32>,
    %get3A_110 = vector.shape_cast %get3A_109 : vector<1x16xi32> to vector<16xi32>
    %add3A_111 = arith.constant 80 : i32
    %add3A_112 = arith.addi %mul3A_13, %add3A_111 : i32
    %add3A_113 = vector.broadcast %add3A_112 : i32 to vector<16xi32>
    %add3A_114 = arith.addi %add3A_113, %iota3A : vector<16xi32>
    %eq3A_115 = arith.cmpi eq, %get3A_110, %add3A_114 : vector<16xi32>
    %jit3A_116 = arith.constant 1024 : i32
    %broadcast_in_dim3A_117 = vector.broadcast %jit3A_116 : i32 to vector<16xi32>
    %select_n3A_118 = arith.select %eq3A_115, %broadcast_in_dim3A_117, %get3A_110 : vector<16xi1>, vector<16xi32>
    %swap3A_119 = arith.constant 0 : i32
    %swap3A_120 = arith.index_cast %swap3A_119 : i32 to index
    %swap3A_121 = arith.constant 80 : index
    %swap3A_122 = tpu.vector_load %arg6[%swap3A_120, %swap3A_121] {strides = array<i32>} : memref<4x128xi32, #tpu.memory_space<vmem>>, vector<1x16xi32>,
    %swap3A_123 = vector.shape_cast %swap3A_122 : vector<1x16xi32> to vector<16xi32>
    %swap3A_124 = vector.shape_cast %select_n3A_118 : vector<16xi32> to vector<1x16xi32>
    tpu.vector_store %arg6[%swap3A_120, %swap3A_121], %swap3A_124 {strides = array<i32>} : memref<4x128xi32, #tpu.memory_space<vmem>>, vector<1x16xi32>,
    %get3A_125 = arith.constant 0 : i32
    %get3A_126 = arith.index_cast %get3A_125 : i32 to index
    %get3A_127 = arith.constant 96 : index
    %get3A_128 = tpu.vector_load %arg5[%get3A_126, %get3A_127] {strides = array<i32>} : memref<4x128xi32, #tpu.memory_space<vmem>>, vector<1x16xi32>,
    %get3A_129 = vector.shape_cast %get3A_128 : vector<1x16xi32> to vector<16xi32>
    %add3A_130 = arith.constant 96 : i32
    %add3A_131 = arith.addi %mul3A_13, %add3A_130 : i32
    %add3A_132 = vector.broadcast %add3A_131 : i32 to vector<16xi32>
    %add3A_133 = arith.addi %add3A_132, %iota3A : vector<16xi32>
    %eq3A_134 = arith.cmpi eq, %get3A_129, %add3A_133 : vector<16xi32>
    %jit3A_135 = arith.constant 1024 : i32
    %broadcast_in_dim3A_136 = vector.broadcast %jit3A_135 : i32 to vector<16xi32>
    %select_n3A_137 = arith.select %eq3A_134, %broadcast_in_dim3A_136, %get3A_129 : vector<16xi1>, vector<16xi32>
    %swap3A_138 = arith.constant 0 : i32
    %swap3A_139 = arith.index_cast %swap3A_138 : i32 to index
    %swap3A_140 = arith.constant 96 : index
    %swap3A_141 = tpu.vector_load %arg6[%swap3A_139, %swap3A_140] {strides = array<i32>} : memref<4x128xi32, #tpu.memory_space<vmem>>, vector<1x16xi32>,
    %swap3A_142 = vector.shape_cast %swap3A_141 : vector<1x16xi32> to vector<16xi32>
    %swap3A_143 = vector.shape_cast %select_n3A_137 : vector<16xi32> to vector<1x16xi32>
    tpu.vector_store %arg6[%swap3A_139, %swap3A_140], %swap3A_143 {strides = array<i32>} : memref<4x128xi32, #tpu.memory_space<vmem>>, vector<1x16xi32>,
    %get3A_144 = arith.constant 0 : i32
    %get3A_145 = arith.index_cast %get3A_144 : i32 to index
    %get3A_146 = arith.constant 112 : index
    %get3A_147 = tpu.vector_load %arg5[%get3A_145, %get3A_146] {strides = array<i32>} : memref<4x128xi32, #tpu.memory_space<vmem>>, vector<1x16xi32>,
    %get3A_148 = vector.shape_cast %get3A_147 : vector<1x16xi32> to vector<16xi32>
    %add3A_149 = arith.constant 112 : i32
    %add3A_150 = arith.addi %mul3A_13, %add3A_149 : i32
    %add3A_151 = vector.broadcast %add3A_150 : i32 to vector<16xi32>
    %add3A_152 = arith.addi %add3A_151, %iota3A : vector<16xi32>
    %eq3A_153 = arith.cmpi eq, %get3A_148, %add3A_152 : vector<16xi32>
    %jit3A_154 = arith.constant 1024 : i32
    %broadcast_in_dim3A_155 = vector.broadcast %jit3A_154 : i32 to vector<16xi32>
    %select_n3A_156 = arith.select %eq3A_153, %broadcast_in_dim3A_155, %get3A_148 : vector<16xi1>, vector<16xi32>
    %swap3A_157 = arith.constant 0 : i32
    %swap3A_158 = arith.index_cast %swap3A_157 : i32 to index
    %swap3A_159 = arith.constant 112 : index
    %swap3A_160 = tpu.vector_load %arg6[%swap3A_158, %swap3A_159] {strides = array<i32>} : memref<4x128xi32, #tpu.memory_space<vmem>>, vector<1x16xi32>,
    %swap3A_161 = vector.shape_cast %swap3A_160 : vector<1x16xi32> to vector<16xi32>
    %swap3A_162 = vector.shape_cast %select_n3A_156 : vector<16xi32> to vector<1x16xi32>
    tpu.vector_store %arg6[%swap3A_158, %swap3A_159], %swap3A_162 {strides = array<i32>} : memref<4x128xi32, #tpu.memory_space<vmem>>, vector<1x16xi32>,
    %get3A_163 = arith.constant 1 : i32
    %get3A_164 = arith.index_cast %get3A_163 : i32 to index
    %get3A_165 = arith.constant 0 : index
    %get3A_166 = tpu.vector_load %arg5[%get3A_164, %get3A_165] {strides = array<i32>} : memref<4x128xi32, #tpu.memory_space<vmem>>, vector<1x16xi32>,
    %get3A_167 = vector.shape_cast %get3A_166 : vector<1x16xi32> to vector<16xi32>
    %add3A_168 = arith.constant 128 : i32
    %add3A_169 = arith.addi %mul3A_13, %add3A_168 : i32
    %add3A_170 = vector.broadcast %add3A_169 : i32 to vector<16xi32>
    %add3A_171 = arith.addi %add3A_170, %iota3A : vector<16xi32>
    %eq3A_172 = arith.cmpi eq, %get3A_167, %add3A_171 : vector<16xi32>
    %jit3A_173 = arith.constant 1024 : i32
    %broadcast_in_dim3A_174 = vector.broadcast %jit3A_173 : i32 to vector<16xi32>
    %select_n3A_175 = arith.select %eq3A_172, %broadcast_in_dim3A_174, %get3A_167 : vector<16xi1>, vector<16xi32>
    %swap3A_176 = arith.constant 1 : i32
    %swap3A_177 = arith.index_cast %swap3A_176 : i32 to index
    %swap3A_178 = arith.constant 0 : index
    %swap3A_179 = tpu.vector_load %arg6[%swap3A_177, %swap3A_178] {strides = array<i32>} : memref<4x128xi32, #tpu.memory_space<vmem>>, vector<1x16xi32>,
    %swap3A_180 = vector.shape_cast %swap3A_179 : vector<1x16xi32> to vector<16xi32>
    %swap3A_181 = vector.shape_cast %select_n3A_175 : vector<16xi32> to vector<1x16xi32>
    tpu.vector_store %arg6[%swap3A_177, %swap3A_178], %swap3A_181 {strides = array<i32>} : memref<4x128xi32, #tpu.memory_space<vmem>>, vector<1x16xi32>,
    %get3A_182 = arith.constant 1 : i32
    %get3A_183 = arith.index_cast %get3A_182 : i32 to index
    %get3A_184 = arith.constant 16 : index
    %get3A_185 = tpu.vector_load %arg5[%get3A_183, %get3A_184] {strides = array<i32>} : memref<4x128xi32, #tpu.memory_space<vmem>>, vector<1x16xi32>,
    %get3A_186 = vector.shape_cast %get3A_185 : vector<1x16xi32> to vector<16xi32>
    %add3A_187 = arith.constant 144 : i32
    %add3A_188 = arith.addi %mul3A_13, %add3A_187 : i32
    %add3A_189 = vector.broadcast %add3A_188 : i32 to vector<16xi32>
    %add3A_190 = arith.addi %add3A_189, %iota3A : vector<16xi32>
    %eq3A_191 = arith.cmpi eq, %get3A_186, %add3A_190 : vector<16xi32>
    %jit3A_192 = arith.constant 1024 : i32
    %broadcast_in_dim3A_193 = vector.broadcast %jit3A_192 : i32 to vector<16xi32>
    %select_n3A_194 = arith.select %eq3A_191, %broadcast_in_dim3A_193, %get3A_186 : vector<16xi1>, vector<16xi32>
    %swap3A_195 = arith.constant 1 : i32
    %swap3A_196 = arith.index_cast %swap3A_195 : i32 to index
    %swap3A_197 = arith.constant 16 : index
    %swap3A_198 = tpu.vector_load %arg6[%swap3A_196, %swap3A_197] {strides = array<i32>} : memref<4x128xi32, #tpu.memory_space<vmem>>, vector<1x16xi32>,
    %swap3A_199 = vector.shape_cast %swap3A_198 : vector<1x16xi32> to vector<16xi32>
    %swap3A_200 = vector.shape_cast %select_n3A_194 : vector<16xi32> to vector<1x16xi32>
    tpu.vector_store %arg6[%swap3A_196, %swap3A_197], %swap3A_200 {strides = array<i32>} : memref<4x128xi32, #tpu.memory_space<vmem>>, vector<1x16xi32>,
    %get3A_201 = arith.constant 1 : i32
    %get3A_202 = arith.index_cast %get3A_201 : i32 to index
    %get3A_203 = arith.constant 32 : index
    %get3A_204 = tpu.vector_load %arg5[%get3A_202, %get3A_203] {strides = array<i32>} : memref<4x128xi32, #tpu.memory_space<vmem>>, vector<1x16xi32>,
    %get3A_205 = vector.shape_cast %get3A_204 : vector<1x16xi32> to vector<16xi32>
    %add3A_206 = arith.constant 160 : i32
    %add3A_207 = arith.addi %mul3A_13, %add3A_206 : i32
    %add3A_208 = vector.broadcast %add3A_207 : i32 to vector<16xi32>
    %add3A_209 = arith.addi %add3A_208, %iota3A : vector<16xi32>
    %eq3A_210 = arith.cmpi eq, %get3A_205, %add3A_209 : vector<16xi32>
    %jit3A_211 = arith.constant 1024 : i32
    %broadcast_in_dim3A_212 = vector.broadcast %jit3A_211 : i32 to vector<16xi32>
    %select_n3A_213 = arith.select %eq3A_210, %broadcast_in_dim3A_212, %get3A_205 : vector<16xi1>, vector<16xi32>
    %swap3A_214 = arith.constant 1 : i32
    %swap3A_215 = arith.index_cast %swap3A_214 : i32 to index
    %swap3A_216 = arith.constant 32 : index
    %swap3A_217 = tpu.vector_load %arg6[%swap3A_215, %swap3A_216] {strides = array<i32>} : memref<4x128xi32, #tpu.memory_space<vmem>>, vector<1x16xi32>,
    %swap3A_218 = vector.shape_cast %swap3A_217 : vector<1x16xi32> to vector<16xi32>
    %swap3A_219 = vector.shape_cast %select_n3A_213 : vector<16xi32> to vector<1x16xi32>
    tpu.vector_store %arg6[%swap3A_215, %swap3A_216], %swap3A_219 {strides = array<i32>} : memref<4x128xi32, #tpu.memory_space<vmem>>, vector<1x16xi32>,
    %get3A_220 = arith.constant 1 : i32
    %get3A_221 = arith.index_cast %get3A_220 : i32 to index
    %get3A_222 = arith.constant 48 : index
    %get3A_223 = tpu.vector_load %arg5[%get3A_221, %get3A_222] {strides = array<i32>} : memref<4x128xi32, #tpu.memory_space<vmem>>, vector<1x16xi32>,
    %get3A_224 = vector.shape_cast %get3A_223 : vector<1x16xi32> to vector<16xi32>
    %add3A_225 = arith.constant 176 : i32
    %add3A_226 = arith.addi %mul3A_13, %add3A_225 : i32
    %add3A_227 = vector.broadcast %add3A_226 : i32 to vector<16xi32>
    %add3A_228 = arith.addi %add3A_227, %iota3A : vector<16xi32>
    %eq3A_229 = arith.cmpi eq, %get3A_224, %add3A_228 : vector<16xi32>
    %jit3A_230 = arith.constant 1024 : i32
    %broadcast_in_dim3A_231 = vector.broadcast %jit3A_230 : i32 to vector<16xi32>
    %select_n3A_232 = arith.select %eq3A_229, %broadcast_in_dim3A_231, %get3A_224 : vector<16xi1>, vector<16xi32>
    %swap3A_233 = arith.constant 1 : i32
    %swap3A_234 = arith.index_cast %swap3A_233 : i32 to index
    %swap3A_235 = arith.constant 48 : index
    %swap3A_236 = tpu.vector_load %arg6[%swap3A_234, %swap3A_235] {strides = array<i32>} : memref<4x128xi32, #tpu.memory_space<vmem>>, vector<1x16xi32>,
    %swap3A_237 = vector.shape_cast %swap3A_236 : vector<1x16xi32> to vector<16xi32>
    %swap3A_238 = vector.shape_cast %select_n3A_232 : vector<16xi32> to vector<1x16xi32>
    tpu.vector_store %arg6[%swap3A_234, %swap3A_235], %swap3A_238 {strides = array<i32>} : memref<4x128xi32, #tpu.memory_space<vmem>>, vector<1x16xi32>,
    %get3A_239 = arith.constant 1 : i32
    %get3A_240 = arith.index_cast %get3A_239 : i32 to index
    %get3A_241 = arith.constant 64 : index
    %get3A_242 = tpu.vector_load %arg5[%get3A_240, %get3A_241] {strides = array<i32>} : memref<4x128xi32, #tpu.memory_space<vmem>>, vector<1x16xi32>,
    %get3A_243 = vector.shape_cast %get3A_242 : vector<1x16xi32> to vector<16xi32>
    %add3A_244 = arith.constant 192 : i32
    %add3A_245 = arith.addi %mul3A_13, %add3A_244 : i32
    %add3A_246 = vector.broadcast %add3A_245 : i32 to vector<16xi32>
    %add3A_247 = arith.addi %add3A_246, %iota3A : vector<16xi32>
    %eq3A_248 = arith.cmpi eq, %get3A_243, %add3A_247 : vector<16xi32>
    %jit3A_249 = arith.constant 1024 : i32
    %broadcast_in_dim3A_250 = vector.broadcast %jit3A_249 : i32 to vector<16xi32>
    %select_n3A_251 = arith.select %eq3A_248, %broadcast_in_dim3A_250, %get3A_243 : vector<16xi1>, vector<16xi32>
    %swap3A_252 = arith.constant 1 : i32
    %swap3A_253 = arith.index_cast %swap3A_252 : i32 to index
    %swap3A_254 = arith.constant 64 : index
    %swap3A_255 = tpu.vector_load %arg6[%swap3A_253, %swap3A_254] {strides = array<i32>} : memref<4x128xi32, #tpu.memory_space<vmem>>, vector<1x16xi32>,
    %swap3A_256 = vector.shape_cast %swap3A_255 : vector<1x16xi32> to vector<16xi32>
    %swap3A_257 = vector.shape_cast %select_n3A_251 : vector<16xi32> to vector<1x16xi32>
    tpu.vector_store %arg6[%swap3A_253, %swap3A_254], %swap3A_257 {strides = array<i32>} : memref<4x128xi32, #tpu.memory_space<vmem>>, vector<1x16xi32>,
    %get3A_258 = arith.constant 1 : i32
    %get3A_259 = arith.index_cast %get3A_258 : i32 to index
    %get3A_260 = arith.constant 80 : index
    %get3A_261 = tpu.vector_load %arg5[%get3A_259, %get3A_260] {strides = array<i32>} : memref<4x128xi32, #tpu.memory_space<vmem>>, vector<1x16xi32>,
    %get3A_262 = vector.shape_cast %get3A_261 : vector<1x16xi32> to vector<16xi32>
    %add3A_263 = arith.constant 208 : i32
    %add3A_264 = arith.addi %mul3A_13, %add3A_263 : i32
    %add3A_265 = vector.broadcast %add3A_264 : i32 to vector<16xi32>
    %add3A_266 = arith.addi %add3A_265, %iota3A : vector<16xi32>
    %eq3A_267 = arith.cmpi eq, %get3A_262, %add3A_266 : vector<16xi32>
    %jit3A_268 = arith.constant 1024 : i32
    %broadcast_in_dim3A_269 = vector.broadcast %jit3A_268 : i32 to vector<16xi32>
    %select_n3A_270 = arith.select %eq3A_267, %broadcast_in_dim3A_269, %get3A_262 : vector<16xi1>, vector<16xi32>
    %swap3A_271 = arith.constant 1 : i32
    %swap3A_272 = arith.index_cast %swap3A_271 : i32 to index
    %swap3A_273 = arith.constant 80 : index
    %swap3A_274 = tpu.vector_load %arg6[%swap3A_272, %swap3A_273] {strides = array<i32>} : memref<4x128xi32, #tpu.memory_space<vmem>>, vector<1x16xi32>,
    %swap3A_275 = vector.shape_cast %swap3A_274 : vector<1x16xi32> to vector<16xi32>
    %swap3A_276 = vector.shape_cast %select_n3A_270 : vector<16xi32> to vector<1x16xi32>
    tpu.vector_store %arg6[%swap3A_272, %swap3A_273], %swap3A_276 {strides = array<i32>} : memref<4x128xi32, #tpu.memory_space<vmem>>, vector<1x16xi32>,
    %get3A_277 = arith.constant 1 : i32
    %get3A_278 = arith.index_cast %get3A_277 : i32 to index
    %get3A_279 = arith.constant 96 : index
    %get3A_280 = tpu.vector_load %arg5[%get3A_278, %get3A_279] {strides = array<i32>} : memref<4x128xi32, #tpu.memory_space<vmem>>, vector<1x16xi32>,
    %get3A_281 = vector.shape_cast %get3A_280 : vector<1x16xi32> to vector<16xi32>
    %add3A_282 = arith.constant 224 : i32
    %add3A_283 = arith.addi %mul3A_13, %add3A_282 : i32
    %add3A_284 = vector.broadcast %add3A_283 : i32 to vector<16xi32>
    %add3A_285 = arith.addi %add3A_284, %iota3A : vector<16xi32>
    %eq3A_286 = arith.cmpi eq, %get3A_281, %add3A_285 : vector<16xi32>
    %jit3A_287 = arith.constant 1024 : i32
    %broadcast_in_dim3A_288 = vector.broadcast %jit3A_287 : i32 to vector<16xi32>
    %select_n3A_289 = arith.select %eq3A_286, %broadcast_in_dim3A_288, %get3A_281 : vector<16xi1>, vector<16xi32>
    %swap3A_290 = arith.constant 1 : i32
    %swap3A_291 = arith.index_cast %swap3A_290 : i32 to index
    %swap3A_292 = arith.constant 96 : index
    %swap3A_293 = tpu.vector_load %arg6[%swap3A_291, %swap3A_292] {strides = array<i32>} : memref<4x128xi32, #tpu.memory_space<vmem>>, vector<1x16xi32>,
    %swap3A_294 = vector.shape_cast %swap3A_293 : vector<1x16xi32> to vector<16xi32>
    %swap3A_295 = vector.shape_cast %select_n3A_289 : vector<16xi32> to vector<1x16xi32>
    tpu.vector_store %arg6[%swap3A_291, %swap3A_292], %swap3A_295 {strides = array<i32>} : memref<4x128xi32, #tpu.memory_space<vmem>>, vector<1x16xi32>,
    %get3A_296 = arith.constant 1 : i32
    %get3A_297 = arith.index_cast %get3A_296 : i32 to index
    %get3A_298 = arith.constant 112 : index
    %get3A_299 = tpu.vector_load %arg5[%get3A_297, %get3A_298] {strides = array<i32>} : memref<4x128xi32, #tpu.memory_space<vmem>>, vector<1x16xi32>,
    %get3A_300 = vector.shape_cast %get3A_299 : vector<1x16xi32> to vector<16xi32>
    %add3A_301 = arith.constant 240 : i32
    %add3A_302 = arith.addi %mul3A_13, %add3A_301 : i32
    %add3A_303 = vector.broadcast %add3A_302 : i32 to vector<16xi32>
    %add3A_304 = arith.addi %add3A_303, %iota3A : vector<16xi32>
    %eq3A_305 = arith.cmpi eq, %get3A_300, %add3A_304 : vector<16xi32>
    %jit3A_306 = arith.constant 1024 : i32
    %broadcast_in_dim3A_307 = vector.broadcast %jit3A_306 : i32 to vector<16xi32>
    %select_n3A_308 = arith.select %eq3A_305, %broadcast_in_dim3A_307, %get3A_300 : vector<16xi1>, vector<16xi32>
    %swap3A_309 = arith.constant 1 : i32
    %swap3A_310 = arith.index_cast %swap3A_309 : i32 to index
    %swap3A_311 = arith.constant 112 : index
    %swap3A_312 = tpu.vector_load %arg6[%swap3A_310, %swap3A_311] {strides = array<i32>} : memref<4x128xi32, #tpu.memory_space<vmem>>, vector<1x16xi32>,
    %swap3A_313 = vector.shape_cast %swap3A_312 : vector<1x16xi32> to vector<16xi32>
    %swap3A_314 = vector.shape_cast %select_n3A_308 : vector<16xi32> to vector<1x16xi32>
    tpu.vector_store %arg6[%swap3A_310, %swap3A_311], %swap3A_314 {strides = array<i32>} : memref<4x128xi32, #tpu.memory_space<vmem>>, vector<1x16xi32>,
    %get3A_315 = arith.constant 2 : i32
    %get3A_316 = arith.index_cast %get3A_315 : i32 to index
    %get3A_317 = arith.constant 0 : index
    %get3A_318 = tpu.vector_load %arg5[%get3A_316, %get3A_317] {strides = array<i32>} : memref<4x128xi32, #tpu.memory_space<vmem>>, vector<1x16xi32>,
    %get3A_319 = vector.shape_cast %get3A_318 : vector<1x16xi32> to vector<16xi32>
    %add3A_320 = arith.constant 256 : i32
    %add3A_321 = arith.addi %mul3A_13, %add3A_320 : i32
    %add3A_322 = vector.broadcast %add3A_321 : i32 to vector<16xi32>
    %add3A_323 = arith.addi %add3A_322, %iota3A : vector<16xi32>
    %eq3A_324 = arith.cmpi eq, %get3A_319, %add3A_323 : vector<16xi32>
    %jit3A_325 = arith.constant 1024 : i32
    %broadcast_in_dim3A_326 = vector.broadcast %jit3A_325 : i32 to vector<16xi32>
    %select_n3A_327 = arith.select %eq3A_324, %broadcast_in_dim3A_326, %get3A_319 : vector<16xi1>, vector<16xi32>
    %swap3A_328 = arith.constant 2 : i32
    %swap3A_329 = arith.index_cast %swap3A_328 : i32 to index
    %swap3A_330 = arith.constant 0 : index
    %swap3A_331 = tpu.vector_load %arg6[%swap3A_329, %swap3A_330] {strides = array<i32>} : memref<4x128xi32, #tpu.memory_space<vmem>>, vector<1x16xi32>,
    %swap3A_332 = vector.shape_cast %swap3A_331 : vector<1x16xi32> to vector<16xi32>
    %swap3A_333 = vector.shape_cast %select_n3A_327 : vector<16xi32> to vector<1x16xi32>
    tpu.vector_store %arg6[%swap3A_329, %swap3A_330], %swap3A_333 {strides = array<i32>} : memref<4x128xi32, #tpu.memory_space<vmem>>, vector<1x16xi32>,
    %get3A_334 = arith.constant 2 : i32
    %get3A_335 = arith.index_cast %get3A_334 : i32 to index
    %get3A_336 = arith.constant 16 : index
    %get3A_337 = tpu.vector_load %arg5[%get3A_335, %get3A_336] {strides = array<i32>} : memref<4x128xi32, #tpu.memory_space<vmem>>, vector<1x16xi32>,
    %get3A_338 = vector.shape_cast %get3A_337 : vector<1x16xi32> to vector<16xi32>
    %add3A_339 = arith.constant 272 : i32
    %add3A_340 = arith.addi %mul3A_13, %add3A_339 : i32
    %add3A_341 = vector.broadcast %add3A_340 : i32 to vector<16xi32>
    %add3A_342 = arith.addi %add3A_341, %iota3A : vector<16xi32>
    %eq3A_343 = arith.cmpi eq, %get3A_338, %add3A_342 : vector<16xi32>
    %jit3A_344 = arith.constant 1024 : i32
    %broadcast_in_dim3A_345 = vector.broadcast %jit3A_344 : i32 to vector<16xi32>
    %select_n3A_346 = arith.select %eq3A_343, %broadcast_in_dim3A_345, %get3A_338 : vector<16xi1>, vector<16xi32>
    %swap3A_347 = arith.constant 2 : i32
    %swap3A_348 = arith.index_cast %swap3A_347 : i32 to index
    %swap3A_349 = arith.constant 16 : index
    %swap3A_350 = tpu.vector_load %arg6[%swap3A_348, %swap3A_349] {strides = array<i32>} : memref<4x128xi32, #tpu.memory_space<vmem>>, vector<1x16xi32>,
    %swap3A_351 = vector.shape_cast %swap3A_350 : vector<1x16xi32> to vector<16xi32>
    %swap3A_352 = vector.shape_cast %select_n3A_346 : vector<16xi32> to vector<1x16xi32>
    tpu.vector_store %arg6[%swap3A_348, %swap3A_349], %swap3A_352 {strides = array<i32>} : memref<4x128xi32, #tpu.memory_space<vmem>>, vector<1x16xi32>,
    %get3A_353 = arith.constant 2 : i32
    %get3A_354 = arith.index_cast %get3A_353 : i32 to index
    %get3A_355 = arith.constant 32 : index
    %get3A_356 = tpu.vector_load %arg5[%get3A_354, %get3A_355] {strides = array<i32>} : memref<4x128xi32, #tpu.memory_space<vmem>>, vector<1x16xi32>,
    %get3A_357 = vector.shape_cast %get3A_356 : vector<1x16xi32> to vector<16xi32>
    %add3A_358 = arith.constant 288 : i32
    %add3A_359 = arith.addi %mul3A_13, %add3A_358 : i32
    %add3A_360 = vector.broadcast %add3A_359 : i32 to vector<16xi32>
    %add3A_361 = arith.addi %add3A_360, %iota3A : vector<16xi32>
    %eq3A_362 = arith.cmpi eq, %get3A_357, %add3A_361 : vector<16xi32>
    %jit3A_363 = arith.constant 1024 : i32
    %broadcast_in_dim3A_364 = vector.broadcast %jit3A_363 : i32 to vector<16xi32>
    %select_n3A_365 = arith.select %eq3A_362, %broadcast_in_dim3A_364, %get3A_357 : vector<16xi1>, vector<16xi32>
    %swap3A_366 = arith.constant 2 : i32
    %swap3A_367 = arith.index_cast %swap3A_366 : i32 to index
    %swap3A_368 = arith.constant 32 : index
    %swap3A_369 = tpu.vector_load %arg6[%swap3A_367, %swap3A_368] {strides = array<i32>} : memref<4x128xi32, #tpu.memory_space<vmem>>, vector<1x16xi32>,
    %swap3A_370 = vector.shape_cast %swap3A_369 : vector<1x16xi32> to vector<16xi32>
    %swap3A_371 = vector.shape_cast %select_n3A_365 : vector<16xi32> to vector<1x16xi32>
    tpu.vector_store %arg6[%swap3A_367, %swap3A_368], %swap3A_371 {strides = array<i32>} : memref<4x128xi32, #tpu.memory_space<vmem>>, vector<1x16xi32>,
    %get3A_372 = arith.constant 2 : i32
    %get3A_373 = arith.index_cast %get3A_372 : i32 to index
    %get3A_374 = arith.constant 48 : index
    %get3A_375 = tpu.vector_load %arg5[%get3A_373, %get3A_374] {strides = array<i32>} : memref<4x128xi32, #tpu.memory_space<vmem>>, vector<1x16xi32>,
    %get3A_376 = vector.shape_cast %get3A_375 : vector<1x16xi32> to vector<16xi32>
    %add3A_377 = arith.constant 304 : i32
    %add3A_378 = arith.addi %mul3A_13, %add3A_377 : i32
    %add3A_379 = vector.broadcast %add3A_378 : i32 to vector<16xi32>
    %add3A_380 = arith.addi %add3A_379, %iota3A : vector<16xi32>
    %eq3A_381 = arith.cmpi eq, %get3A_376, %add3A_380 : vector<16xi32>
    %jit3A_382 = arith.constant 1024 : i32
    %broadcast_in_dim3A_383 = vector.broadcast %jit3A_382 : i32 to vector<16xi32>
    %select_n3A_384 = arith.select %eq3A_381, %broadcast_in_dim3A_383, %get3A_376 : vector<16xi1>, vector<16xi32>
    %swap3A_385 = arith.constant 2 : i32
    %swap3A_386 = arith.index_cast %swap3A_385 : i32 to index
    %swap3A_387 = arith.constant 48 : index
    %swap3A_388 = tpu.vector_load %arg6[%swap3A_386, %swap3A_387] {strides = array<i32>} : memref<4x128xi32, #tpu.memory_space<vmem>>, vector<1x16xi32>,
    %swap3A_389 = vector.shape_cast %swap3A_388 : vector<1x16xi32> to vector<16xi32>
    %swap3A_390 = vector.shape_cast %select_n3A_384 : vector<16xi32> to vector<1x16xi32>
    tpu.vector_store %arg6[%swap3A_386, %swap3A_387], %swap3A_390 {strides = array<i32>} : memref<4x128xi32, #tpu.memory_space<vmem>>, vector<1x16xi32>,
    %get3A_391 = arith.constant 2 : i32
    %get3A_392 = arith.index_cast %get3A_391 : i32 to index
    %get3A_393 = arith.constant 64 : index
    %get3A_394 = tpu.vector_load %arg5[%get3A_392, %get3A_393] {strides = array<i32>} : memref<4x128xi32, #tpu.memory_space<vmem>>, vector<1x16xi32>,
    %get3A_395 = vector.shape_cast %get3A_394 : vector<1x16xi32> to vector<16xi32>
    %add3A_396 = arith.constant 320 : i32
    %add3A_397 = arith.addi %mul3A_13, %add3A_396 : i32
    %add3A_398 = vector.broadcast %add3A_397 : i32 to vector<16xi32>
    %add3A_399 = arith.addi %add3A_398, %iota3A : vector<16xi32>
    %eq3A_400 = arith.cmpi eq, %get3A_395, %add3A_399 : vector<16xi32>
    %jit3A_401 = arith.constant 1024 : i32
    %broadcast_in_dim3A_402 = vector.broadcast %jit3A_401 : i32 to vector<16xi32>
    %select_n3A_403 = arith.select %eq3A_400, %broadcast_in_dim3A_402, %get3A_395 : vector<16xi1>, vector<16xi32>
    %swap3A_404 = arith.constant 2 : i32
    %swap3A_405 = arith.index_cast %swap3A_404 : i32 to index
    %swap3A_406 = arith.constant 64 : index
    %swap3A_407 = tpu.vector_load %arg6[%swap3A_405, %swap3A_406] {strides = array<i32>} : memref<4x128xi32, #tpu.memory_space<vmem>>, vector<1x16xi32>,
    %swap3A_408 = vector.shape_cast %swap3A_407 : vector<1x16xi32> to vector<16xi32>
    %swap3A_409 = vector.shape_cast %select_n3A_403 : vector<16xi32> to vector<1x16xi32>
    tpu.vector_store %arg6[%swap3A_405, %swap3A_406], %swap3A_409 {strides = array<i32>} : memref<4x128xi32, #tpu.memory_space<vmem>>, vector<1x16xi32>,
    %get3A_410 = arith.constant 2 : i32
    %get3A_411 = arith.index_cast %get3A_410 : i32 to index
    %get3A_412 = arith.constant 80 : index
    %get3A_413 = tpu.vector_load %arg5[%get3A_411, %get3A_412] {strides = array<i32>} : memref<4x128xi32, #tpu.memory_space<vmem>>, vector<1x16xi32>,
    %get3A_414 = vector.shape_cast %get3A_413 : vector<1x16xi32> to vector<16xi32>
    %add3A_415 = arith.constant 336 : i32
    %add3A_416 = arith.addi %mul3A_13, %add3A_415 : i32
    %add3A_417 = vector.broadcast %add3A_416 : i32 to vector<16xi32>
    %add3A_418 = arith.addi %add3A_417, %iota3A : vector<16xi32>
    %eq3A_419 = arith.cmpi eq, %get3A_414, %add3A_418 : vector<16xi32>
    %jit3A_420 = arith.constant 1024 : i32
    %broadcast_in_dim3A_421 = vector.broadcast %jit3A_420 : i32 to vector<16xi32>
    %select_n3A_422 = arith.select %eq3A_419, %broadcast_in_dim3A_421, %get3A_414 : vector<16xi1>, vector<16xi32>
    %swap3A_423 = arith.constant 2 : i32
    %swap3A_424 = arith.index_cast %swap3A_423 : i32 to index
    %swap3A_425 = arith.constant 80 : index
    %swap3A_426 = tpu.vector_load %arg6[%swap3A_424, %swap3A_425] {strides = array<i32>} : memref<4x128xi32, #tpu.memory_space<vmem>>, vector<1x16xi32>,
    %swap3A_427 = vector.shape_cast %swap3A_426 : vector<1x16xi32> to vector<16xi32>
    %swap3A_428 = vector.shape_cast %select_n3A_422 : vector<16xi32> to vector<1x16xi32>
    tpu.vector_store %arg6[%swap3A_424, %swap3A_425], %swap3A_428 {strides = array<i32>} : memref<4x128xi32, #tpu.memory_space<vmem>>, vector<1x16xi32>,
    %get3A_429 = arith.constant 2 : i32
    %get3A_430 = arith.index_cast %get3A_429 : i32 to index
    %get3A_431 = arith.constant 96 : index
    %get3A_432 = tpu.vector_load %arg5[%get3A_430, %get3A_431] {strides = array<i32>} : memref<4x128xi32, #tpu.memory_space<vmem>>, vector<1x16xi32>,
    %get3A_433 = vector.shape_cast %get3A_432 : vector<1x16xi32> to vector<16xi32>
    %add3A_434 = arith.constant 352 : i32
    %add3A_435 = arith.addi %mul3A_13, %add3A_434 : i32
    %add3A_436 = vector.broadcast %add3A_435 : i32 to vector<16xi32>
    %add3A_437 = arith.addi %add3A_436, %iota3A : vector<16xi32>
    %eq3A_438 = arith.cmpi eq, %get3A_433, %add3A_437 : vector<16xi32>
    %jit3A_439 = arith.constant 1024 : i32
    %broadcast_in_dim3A_440 = vector.broadcast %jit3A_439 : i32 to vector<16xi32>
    %select_n3A_441 = arith.select %eq3A_438, %broadcast_in_dim3A_440, %get3A_433 : vector<16xi1>, vector<16xi32>
    %swap3A_442 = arith.constant 2 : i32
    %swap3A_443 = arith.index_cast %swap3A_442 : i32 to index
    %swap3A_444 = arith.constant 96 : index
    %swap3A_445 = tpu.vector_load %arg6[%swap3A_443, %swap3A_444] {strides = array<i32>} : memref<4x128xi32, #tpu.memory_space<vmem>>, vector<1x16xi32>,
    %swap3A_446 = vector.shape_cast %swap3A_445 : vector<1x16xi32> to vector<16xi32>
    %swap3A_447 = vector.shape_cast %select_n3A_441 : vector<16xi32> to vector<1x16xi32>
    tpu.vector_store %arg6[%swap3A_443, %swap3A_444], %swap3A_447 {strides = array<i32>} : memref<4x128xi32, #tpu.memory_space<vmem>>, vector<1x16xi32>,
    %get3A_448 = arith.constant 2 : i32
    %get3A_449 = arith.index_cast %get3A_448 : i32 to index
    %get3A_450 = arith.constant 112 : index
    %get3A_451 = tpu.vector_load %arg5[%get3A_449, %get3A_450] {strides = array<i32>} : memref<4x128xi32, #tpu.memory_space<vmem>>, vector<1x16xi32>,
    %get3A_452 = vector.shape_cast %get3A_451 : vector<1x16xi32> to vector<16xi32>
    %add3A_453 = arith.constant 368 : i32
    %add3A_454 = arith.addi %mul3A_13, %add3A_453 : i32
    %add3A_455 = vector.broadcast %add3A_454 : i32 to vector<16xi32>
    %add3A_456 = arith.addi %add3A_455, %iota3A : vector<16xi32>
    %eq3A_457 = arith.cmpi eq, %get3A_452, %add3A_456 : vector<16xi32>
    %jit3A_458 = arith.constant 1024 : i32
    %broadcast_in_dim3A_459 = vector.broadcast %jit3A_458 : i32 to vector<16xi32>
    %select_n3A_460 = arith.select %eq3A_457, %broadcast_in_dim3A_459, %get3A_452 : vector<16xi1>, vector<16xi32>
    %swap3A_461 = arith.constant 2 : i32
    %swap3A_462 = arith.index_cast %swap3A_461 : i32 to index
    %swap3A_463 = arith.constant 112 : index
    %swap3A_464 = tpu.vector_load %arg6[%swap3A_462, %swap3A_463] {strides = array<i32>} : memref<4x128xi32, #tpu.memory_space<vmem>>, vector<1x16xi32>,
    %swap3A_465 = vector.shape_cast %swap3A_464 : vector<1x16xi32> to vector<16xi32>
    %swap3A_466 = vector.shape_cast %select_n3A_460 : vector<16xi32> to vector<1x16xi32>
    tpu.vector_store %arg6[%swap3A_462, %swap3A_463], %swap3A_466 {strides = array<i32>} : memref<4x128xi32, #tpu.memory_space<vmem>>, vector<1x16xi32>,
    %get3A_467 = arith.constant 3 : i32
    %get3A_468 = arith.index_cast %get3A_467 : i32 to index
    %get3A_469 = arith.constant 0 : index
    %get3A_470 = tpu.vector_load %arg5[%get3A_468, %get3A_469] {strides = array<i32>} : memref<4x128xi32, #tpu.memory_space<vmem>>, vector<1x16xi32>,
    %get3A_471 = vector.shape_cast %get3A_470 : vector<1x16xi32> to vector<16xi32>
    %add3A_472 = arith.constant 384 : i32
    %add3A_473 = arith.addi %mul3A_13, %add3A_472 : i32
    %add3A_474 = vector.broadcast %add3A_473 : i32 to vector<16xi32>
    %add3A_475 = arith.addi %add3A_474, %iota3A : vector<16xi32>
    %eq3A_476 = arith.cmpi eq, %get3A_471, %add3A_475 : vector<16xi32>
    %jit3A_477 = arith.constant 1024 : i32
    %broadcast_in_dim3A_478 = vector.broadcast %jit3A_477 : i32 to vector<16xi32>
    %select_n3A_479 = arith.select %eq3A_476, %broadcast_in_dim3A_478, %get3A_471 : vector<16xi1>, vector<16xi32>
    %swap3A_480 = arith.constant 3 : i32
    %swap3A_481 = arith.index_cast %swap3A_480 : i32 to index
    %swap3A_482 = arith.constant 0 : index
    %swap3A_483 = tpu.vector_load %arg6[%swap3A_481, %swap3A_482] {strides = array<i32>} : memref<4x128xi32, #tpu.memory_space<vmem>>, vector<1x16xi32>,
    %swap3A_484 = vector.shape_cast %swap3A_483 : vector<1x16xi32> to vector<16xi32>
    %swap3A_485 = vector.shape_cast %select_n3A_479 : vector<16xi32> to vector<1x16xi32>
    tpu.vector_store %arg6[%swap3A_481, %swap3A_482], %swap3A_485 {strides = array<i32>} : memref<4x128xi32, #tpu.memory_space<vmem>>, vector<1x16xi32>,
    %get3A_486 = arith.constant 3 : i32
    %get3A_487 = arith.index_cast %get3A_486 : i32 to index
    %get3A_488 = arith.constant 16 : index
    %get3A_489 = tpu.vector_load %arg5[%get3A_487, %get3A_488] {strides = array<i32>} : memref<4x128xi32, #tpu.memory_space<vmem>>, vector<1x16xi32>,
    %get3A_490 = vector.shape_cast %get3A_489 : vector<1x16xi32> to vector<16xi32>
    %add3A_491 = arith.constant 400 : i32
    %add3A_492 = arith.addi %mul3A_13, %add3A_491 : i32
    %add3A_493 = vector.broadcast %add3A_492 : i32 to vector<16xi32>
    %add3A_494 = arith.addi %add3A_493, %iota3A : vector<16xi32>
    %eq3A_495 = arith.cmpi eq, %get3A_490, %add3A_494 : vector<16xi32>
    %jit3A_496 = arith.constant 1024 : i32
    %broadcast_in_dim3A_497 = vector.broadcast %jit3A_496 : i32 to vector<16xi32>
    %select_n3A_498 = arith.select %eq3A_495, %broadcast_in_dim3A_497, %get3A_490 : vector<16xi1>, vector<16xi32>
    %swap3A_499 = arith.constant 3 : i32
    %swap3A_500 = arith.index_cast %swap3A_499 : i32 to index
    %swap3A_501 = arith.constant 16 : index
    %swap3A_502 = tpu.vector_load %arg6[%swap3A_500, %swap3A_501] {strides = array<i32>} : memref<4x128xi32, #tpu.memory_space<vmem>>, vector<1x16xi32>,
    %swap3A_503 = vector.shape_cast %swap3A_502 : vector<1x16xi32> to vector<16xi32>
    %swap3A_504 = vector.shape_cast %select_n3A_498 : vector<16xi32> to vector<1x16xi32>
    tpu.vector_store %arg6[%swap3A_500, %swap3A_501], %swap3A_504 {strides = array<i32>} : memref<4x128xi32, #tpu.memory_space<vmem>>, vector<1x16xi32>,
    %get3A_505 = arith.constant 3 : i32
    %get3A_506 = arith.index_cast %get3A_505 : i32 to index
    %get3A_507 = arith.constant 32 : index
    %get3A_508 = tpu.vector_load %arg5[%get3A_506, %get3A_507] {strides = array<i32>} : memref<4x128xi32, #tpu.memory_space<vmem>>, vector<1x16xi32>,
    %get3A_509 = vector.shape_cast %get3A_508 : vector<1x16xi32> to vector<16xi32>
    %add3A_510 = arith.constant 416 : i32
    %add3A_511 = arith.addi %mul3A_13, %add3A_510 : i32
    %add3A_512 = vector.broadcast %add3A_511 : i32 to vector<16xi32>
    %add3A_513 = arith.addi %add3A_512, %iota3A : vector<16xi32>
    %eq3A_514 = arith.cmpi eq, %get3A_509, %add3A_513 : vector<16xi32>
    %jit3A_515 = arith.constant 1024 : i32
    %broadcast_in_dim3A_516 = vector.broadcast %jit3A_515 : i32 to vector<16xi32>
    %select_n3A_517 = arith.select %eq3A_514, %broadcast_in_dim3A_516, %get3A_509 : vector<16xi1>, vector<16xi32>
    %swap3A_518 = arith.constant 3 : i32
    %swap3A_519 = arith.index_cast %swap3A_518 : i32 to index
    %swap3A_520 = arith.constant 32 : index
    %swap3A_521 = tpu.vector_load %arg6[%swap3A_519, %swap3A_520] {strides = array<i32>} : memref<4x128xi32, #tpu.memory_space<vmem>>, vector<1x16xi32>,
    %swap3A_522 = vector.shape_cast %swap3A_521 : vector<1x16xi32> to vector<16xi32>
    %swap3A_523 = vector.shape_cast %select_n3A_517 : vector<16xi32> to vector<1x16xi32>
    tpu.vector_store %arg6[%swap3A_519, %swap3A_520], %swap3A_523 {strides = array<i32>} : memref<4x128xi32, #tpu.memory_space<vmem>>, vector<1x16xi32>,
    %get3A_524 = arith.constant 3 : i32
    %get3A_525 = arith.index_cast %get3A_524 : i32 to index
    %get3A_526 = arith.constant 48 : index
    %get3A_527 = tpu.vector_load %arg5[%get3A_525, %get3A_526] {strides = array<i32>} : memref<4x128xi32, #tpu.memory_space<vmem>>, vector<1x16xi32>,
    %get3A_528 = vector.shape_cast %get3A_527 : vector<1x16xi32> to vector<16xi32>
    %add3A_529 = arith.constant 432 : i32
    %add3A_530 = arith.addi %mul3A_13, %add3A_529 : i32
    %add3A_531 = vector.broadcast %add3A_530 : i32 to vector<16xi32>
    %add3A_532 = arith.addi %add3A_531, %iota3A : vector<16xi32>
    %eq3A_533 = arith.cmpi eq, %get3A_528, %add3A_532 : vector<16xi32>
    %jit3A_534 = arith.constant 1024 : i32
    %broadcast_in_dim3A_535 = vector.broadcast %jit3A_534 : i32 to vector<16xi32>
    %select_n3A_536 = arith.select %eq3A_533, %broadcast_in_dim3A_535, %get3A_528 : vector<16xi1>, vector<16xi32>
    %swap3A_537 = arith.constant 3 : i32
    %swap3A_538 = arith.index_cast %swap3A_537 : i32 to index
    %swap3A_539 = arith.constant 48 : index
    %swap3A_540 = tpu.vector_load %arg6[%swap3A_538, %swap3A_539] {strides = array<i32>} : memref<4x128xi32, #tpu.memory_space<vmem>>, vector<1x16xi32>,
    %swap3A_541 = vector.shape_cast %swap3A_540 : vector<1x16xi32> to vector<16xi32>
    %swap3A_542 = vector.shape_cast %select_n3A_536 : vector<16xi32> to vector<1x16xi32>
    tpu.vector_store %arg6[%swap3A_538, %swap3A_539], %swap3A_542 {strides = array<i32>} : memref<4x128xi32, #tpu.memory_space<vmem>>, vector<1x16xi32>,
    %get3A_543 = arith.constant 3 : i32
    %get3A_544 = arith.index_cast %get3A_543 : i32 to index
    %get3A_545 = arith.constant 64 : index
    %get3A_546 = tpu.vector_load %arg5[%get3A_544, %get3A_545] {strides = array<i32>} : memref<4x128xi32, #tpu.memory_space<vmem>>, vector<1x16xi32>,
    %get3A_547 = vector.shape_cast %get3A_546 : vector<1x16xi32> to vector<16xi32>
    %add3A_548 = arith.constant 448 : i32
    %add3A_549 = arith.addi %mul3A_13, %add3A_548 : i32
    %add3A_550 = vector.broadcast %add3A_549 : i32 to vector<16xi32>
    %add3A_551 = arith.addi %add3A_550, %iota3A : vector<16xi32>
    %eq3A_552 = arith.cmpi eq, %get3A_547, %add3A_551 : vector<16xi32>
    %jit3A_553 = arith.constant 1024 : i32
    %broadcast_in_dim3A_554 = vector.broadcast %jit3A_553 : i32 to vector<16xi32>
    %select_n3A_555 = arith.select %eq3A_552, %broadcast_in_dim3A_554, %get3A_547 : vector<16xi1>, vector<16xi32>
    %swap3A_556 = arith.constant 3 : i32
    %swap3A_557 = arith.index_cast %swap3A_556 : i32 to index
    %swap3A_558 = arith.constant 64 : index
    %swap3A_559 = tpu.vector_load %arg6[%swap3A_557, %swap3A_558] {strides = array<i32>} : memref<4x128xi32, #tpu.memory_space<vmem>>, vector<1x16xi32>,
    %swap3A_560 = vector.shape_cast %swap3A_559 : vector<1x16xi32> to vector<16xi32>
    %swap3A_561 = vector.shape_cast %select_n3A_555 : vector<16xi32> to vector<1x16xi32>
    tpu.vector_store %arg6[%swap3A_557, %swap3A_558], %swap3A_561 {strides = array<i32>} : memref<4x128xi32, #tpu.memory_space<vmem>>, vector<1x16xi32>,
    %get3A_562 = arith.constant 3 : i32
    %get3A_563 = arith.index_cast %get3A_562 : i32 to index
    %get3A_564 = arith.constant 80 : index
    %get3A_565 = tpu.vector_load %arg5[%get3A_563, %get3A_564] {strides = array<i32>} : memref<4x128xi32, #tpu.memory_space<vmem>>, vector<1x16xi32>,
    %get3A_566 = vector.shape_cast %get3A_565 : vector<1x16xi32> to vector<16xi32>
    %add3A_567 = arith.constant 464 : i32
    %add3A_568 = arith.addi %mul3A_13, %add3A_567 : i32
    %add3A_569 = vector.broadcast %add3A_568 : i32 to vector<16xi32>
    %add3A_570 = arith.addi %add3A_569, %iota3A : vector<16xi32>
    %eq3A_571 = arith.cmpi eq, %get3A_566, %add3A_570 : vector<16xi32>
    %jit3A_572 = arith.constant 1024 : i32
    %broadcast_in_dim3A_573 = vector.broadcast %jit3A_572 : i32 to vector<16xi32>
    %select_n3A_574 = arith.select %eq3A_571, %broadcast_in_dim3A_573, %get3A_566 : vector<16xi1>, vector<16xi32>
    %swap3A_575 = arith.constant 3 : i32
    %swap3A_576 = arith.index_cast %swap3A_575 : i32 to index
    %swap3A_577 = arith.constant 80 : index
    %swap3A_578 = tpu.vector_load %arg6[%swap3A_576, %swap3A_577] {strides = array<i32>} : memref<4x128xi32, #tpu.memory_space<vmem>>, vector<1x16xi32>,
    %swap3A_579 = vector.shape_cast %swap3A_578 : vector<1x16xi32> to vector<16xi32>
    %swap3A_580 = vector.shape_cast %select_n3A_574 : vector<16xi32> to vector<1x16xi32>
    tpu.vector_store %arg6[%swap3A_576, %swap3A_577], %swap3A_580 {strides = array<i32>} : memref<4x128xi32, #tpu.memory_space<vmem>>, vector<1x16xi32>,
    %get3A_581 = arith.constant 3 : i32
    %get3A_582 = arith.index_cast %get3A_581 : i32 to index
    %get3A_583 = arith.constant 96 : index
    %get3A_584 = tpu.vector_load %arg5[%get3A_582, %get3A_583] {strides = array<i32>} : memref<4x128xi32, #tpu.memory_space<vmem>>, vector<1x16xi32>,
    %get3A_585 = vector.shape_cast %get3A_584 : vector<1x16xi32> to vector<16xi32>
    %add3A_586 = arith.constant 480 : i32
    %add3A_587 = arith.addi %mul3A_13, %add3A_586 : i32
    %add3A_588 = vector.broadcast %add3A_587 : i32 to vector<16xi32>
    %add3A_589 = arith.addi %add3A_588, %iota3A : vector<16xi32>
    %eq3A_590 = arith.cmpi eq, %get3A_585, %add3A_589 : vector<16xi32>
    %jit3A_591 = arith.constant 1024 : i32
    %broadcast_in_dim3A_592 = vector.broadcast %jit3A_591 : i32 to vector<16xi32>
    %select_n3A_593 = arith.select %eq3A_590, %broadcast_in_dim3A_592, %get3A_585 : vector<16xi1>, vector<16xi32>
    %swap3A_594 = arith.constant 3 : i32
    %swap3A_595 = arith.index_cast %swap3A_594 : i32 to index
    %swap3A_596 = arith.constant 96 : index
    %swap3A_597 = tpu.vector_load %arg6[%swap3A_595, %swap3A_596] {strides = array<i32>} : memref<4x128xi32, #tpu.memory_space<vmem>>, vector<1x16xi32>,
    %swap3A_598 = vector.shape_cast %swap3A_597 : vector<1x16xi32> to vector<16xi32>
    %swap3A_599 = vector.shape_cast %select_n3A_593 : vector<16xi32> to vector<1x16xi32>
    tpu.vector_store %arg6[%swap3A_595, %swap3A_596], %swap3A_599 {strides = array<i32>} : memref<4x128xi32, #tpu.memory_space<vmem>>, vector<1x16xi32>,
    %get3A_600 = arith.constant 3 : i32
    %get3A_601 = arith.index_cast %get3A_600 : i32 to index
    %get3A_602 = arith.constant 112 : index
    %get3A_603 = tpu.vector_load %arg5[%get3A_601, %get3A_602] {strides = array<i32>} : memref<4x128xi32, #tpu.memory_space<vmem>>, vector<1x16xi32>,
    %get3A_604 = vector.shape_cast %get3A_603 : vector<1x16xi32> to vector<16xi32>
    %add3A_605 = arith.constant 496 : i32
    %add3A_606 = arith.addi %mul3A_13, %add3A_605 : i32
    %add3A_607 = vector.broadcast %add3A_606 : i32 to vector<16xi32>
    %add3A_608 = arith.addi %add3A_607, %iota3A : vector<16xi32>
    %eq3A_609 = arith.cmpi eq, %get3A_604, %add3A_608 : vector<16xi32>
    %jit3A_610 = arith.constant 1024 : i32
    %broadcast_in_dim3A_611 = vector.broadcast %jit3A_610 : i32 to vector<16xi32>
    %select_n3A_612 = arith.select %eq3A_609, %broadcast_in_dim3A_611, %get3A_604 : vector<16xi1>, vector<16xi32>
    %swap3A_613 = arith.constant 3 : i32
    %swap3A_614 = arith.index_cast %swap3A_613 : i32 to index
    %swap3A_615 = arith.constant 112 : index
    %swap3A_616 = tpu.vector_load %arg6[%swap3A_614, %swap3A_615] {strides = array<i32>} : memref<4x128xi32, #tpu.memory_space<vmem>>, vector<1x16xi32>,
    %swap3A_617 = vector.shape_cast %swap3A_616 : vector<1x16xi32> to vector<16xi32>
    %swap3A_618 = vector.shape_cast %select_n3A_612 : vector<16xi32> to vector<1x16xi32>
    tpu.vector_store %arg6[%swap3A_614, %swap3A_615], %swap3A_618 {strides = array<i32>} : memref<4x128xi32, #tpu.memory_space<vmem>>, vector<1x16xi32>,
    %dma_start3A = arith.constant 0 : i32
    %dma_start3A_619 = arith.constant 0 : i32
    %dma_start3A_620 = arith.constant 0 : i32
    %dma_start3A_621 = tpu.memref_slice %arg7[%dma_start3A_619, %dma_start3A_620] : memref<512x128xf32, #tpu.memory_space<vmem>> -> memref<128x128xf32, #tpu.memory_space<vmem>>
    %dma_start3A_622 = arith.constant 0 : i32
    %dma_start3A_623 = tpu.memref_slice %arg6[%dma_start3A, %dma_start3A_622] : memref<4x128xi32, #tpu.memory_space<vmem>> -> memref<1x128xi32, #tpu.memory_space<vmem>>
    %dma_start3A_624 = tpu.memref_squeeze %dma_start3A_623 : memref<1x128xi32, #tpu.memory_space<vmem>> -> memref<128xi32, #tpu.memory_space<vmem>>
    %dma_start3A_625 = arith.constant 0 : i32
    %dma_start3A_626 = arith.constant 0 : i32
    %dma_start3A_627 = tpu.memref_slice %arg3[%dma_start3A_625, %dma_start3A_626] : memref<1032x128xf32, #tpu.memory_space<hbm>> -> memref<1032x128xf32, #tpu.memory_space<hbm>>
    tpu.enqueue_indirect_dma source(%dma_start3A_627 : memref<1032x128xf32, #tpu.memory_space<hbm>>) target(%dma_start3A_621 : memref<128x128xf32, #tpu.memory_space<vmem>>) offsets(%dma_start3A_624 : memref<128xi32, #tpu.memory_space<vmem>>) semaphore(%arg8 : memref<!tpu.dma_semaphore, #tpu.memory_space<semaphore_mem>>)
    %dma_start3A_628 = arith.constant 1 : i32
    %dma_start3A_629 = arith.constant 128 : i32
    %dma_start3A_630 = arith.constant 0 : i32
    %dma_start3A_631 = tpu.memref_slice %arg7[%dma_start3A_629, %dma_start3A_630] : memref<512x128xf32, #tpu.memory_space<vmem>> -> memref<128x128xf32, #tpu.memory_space<vmem>>
    %dma_start3A_632 = arith.constant 0 : i32
    %dma_start3A_633 = tpu.memref_slice %arg6[%dma_start3A_628, %dma_start3A_632] : memref<4x128xi32, #tpu.memory_space<vmem>> -> memref<1x128xi32, #tpu.memory_space<vmem>>
    %dma_start3A_634 = tpu.memref_squeeze %dma_start3A_633 : memref<1x128xi32, #tpu.memory_space<vmem>> -> memref<128xi32, #tpu.memory_space<vmem>>
    %dma_start3A_635 = arith.constant 0 : i32
    %dma_start3A_636 = arith.constant 0 : i32
    %dma_start3A_637 = tpu.memref_slice %arg3[%dma_start3A_635, %dma_start3A_636] : memref<1032x128xf32, #tpu.memory_space<hbm>> -> memref<1032x128xf32, #tpu.memory_space<hbm>>
    tpu.enqueue_indirect_dma source(%dma_start3A_637 : memref<1032x128xf32, #tpu.memory_space<hbm>>) target(%dma_start3A_631 : memref<128x128xf32, #tpu.memory_space<vmem>>) offsets(%dma_start3A_634 : memref<128xi32, #tpu.memory_space<vmem>>) semaphore(%arg8 : memref<!tpu.dma_semaphore, #tpu.memory_space<semaphore_mem>>)
    %dma_start3A_638 = arith.constant 2 : i32
    %dma_start3A_639 = arith.constant 256 : i32
    %dma_start3A_640 = arith.constant 0 : i32
    %dma_start3A_641 = tpu.memref_slice %arg7[%dma_start3A_639, %dma_start3A_640] : memref<512x128xf32, #tpu.memory_space<vmem>> -> memref<128x128xf32, #tpu.memory_space<vmem>>
    %dma_start3A_642 = arith.constant 0 : i32
    %dma_start3A_643 = tpu.memref_slice %arg6[%dma_start3A_638, %dma_start3A_642] : memref<4x128xi32, #tpu.memory_space<vmem>> -> memref<1x128xi32, #tpu.memory_space<vmem>>
    %dma_start3A_644 = tpu.memref_squeeze %dma_start3A_643 : memref<1x128xi32, #tpu.memory_space<vmem>> -> memref<128xi32, #tpu.memory_space<vmem>>
    %dma_start3A_645 = arith.constant 0 : i32
    %dma_start3A_646 = arith.constant 0 : i32
    %dma_start3A_647 = tpu.memref_slice %arg3[%dma_start3A_645, %dma_start3A_646] : memref<1032x128xf32, #tpu.memory_space<hbm>> -> memref<1032x128xf32, #tpu.memory_space<hbm>>
    tpu.enqueue_indirect_dma source(%dma_start3A_647 : memref<1032x128xf32, #tpu.memory_space<hbm>>) target(%dma_start3A_641 : memref<128x128xf32, #tpu.memory_space<vmem>>) offsets(%dma_start3A_644 : memref<128xi32, #tpu.memory_space<vmem>>) semaphore(%arg8 : memref<!tpu.dma_semaphore, #tpu.memory_space<semaphore_mem>>)
    %dma_start3A_648 = arith.constant 3 : i32
    %dma_start3A_649 = arith.constant 384 : i32
    %dma_start3A_650 = arith.constant 0 : i32
    %dma_start3A_651 = tpu.memref_slice %arg7[%dma_start3A_649, %dma_start3A_650] : memref<512x128xf32, #tpu.memory_space<vmem>> -> memref<128x128xf32, #tpu.memory_space<vmem>>
    %dma_start3A_652 = arith.constant 0 : i32
    %dma_start3A_653 = tpu.memref_slice %arg6[%dma_start3A_648, %dma_start3A_652] : memref<4x128xi32, #tpu.memory_space<vmem>> -> memref<1x128xi32, #tpu.memory_space<vmem>>
    %dma_start3A_654 = tpu.memref_squeeze %dma_start3A_653 : memref<1x128xi32, #tpu.memory_space<vmem>> -> memref<128xi32, #tpu.memory_space<vmem>>
    %dma_start3A_655 = arith.constant 0 : i32
    %dma_start3A_656 = arith.constant 0 : i32
    %dma_start3A_657 = tpu.memref_slice %arg3[%dma_start3A_655, %dma_start3A_656] : memref<1032x128xf32, #tpu.memory_space<hbm>> -> memref<1032x128xf32, #tpu.memory_space<hbm>>
    tpu.enqueue_indirect_dma source(%dma_start3A_657 : memref<1032x128xf32, #tpu.memory_space<hbm>>) target(%dma_start3A_651 : memref<128x128xf32, #tpu.memory_space<vmem>>) offsets(%dma_start3A_654 : memref<128xi32, #tpu.memory_space<vmem>>) semaphore(%arg8 : memref<!tpu.dma_semaphore, #tpu.memory_space<semaphore_mem>>)
    %dma_wait3A = arith.constant 0 : i32
    %dma_wait3A_658 = arith.constant 0 : i32
    %dma_wait3A_659 = arith.constant 0 : i32
    %dma_wait3A_660 = tpu.memref_slice %arg7[%dma_wait3A_658, %dma_wait3A_659] : memref<512x128xf32, #tpu.memory_space<vmem>> -> memref<128x128xf32, #tpu.memory_space<vmem>>
    %dma_wait3A_661 = arith.constant 0 : i32
    %dma_wait3A_662 = tpu.memref_slice %arg6[%dma_wait3A, %dma_wait3A_661] : memref<4x128xi32, #tpu.memory_space<vmem>> -> memref<1x128xi32, #tpu.memory_space<vmem>>
    %dma_wait3A_663 = tpu.memref_squeeze %dma_wait3A_662 : memref<1x128xi32, #tpu.memory_space<vmem>> -> memref<128xi32, #tpu.memory_space<vmem>>
    %dma_wait3A_664 = arith.constant 0 : i32
    %dma_wait3A_665 = arith.constant 0 : i32
    %dma_wait3A_666 = tpu.memref_slice %arg3[%dma_wait3A_664, %dma_wait3A_665] : memref<1032x128xf32, #tpu.memory_space<hbm>> -> memref<1032x128xf32, #tpu.memory_space<hbm>>
    tpu.wait_indirect_dma semaphore(%arg8 : memref<!tpu.dma_semaphore, #tpu.memory_space<semaphore_mem>>) src(%dma_wait3A_666 : memref<1032x128xf32, #tpu.memory_space<hbm>>) dst(%dma_wait3A_660 : memref<128x128xf32, #tpu.memory_space<vmem>>)
    %dma_wait3A_667 = arith.constant 1 : i32
    %dma_wait3A_668 = arith.constant 128 : i32
    %dma_wait3A_669 = arith.constant 0 : i32
    %dma_wait3A_670 = tpu.memref_slice %arg7[%dma_wait3A_668, %dma_wait3A_669] : memref<512x128xf32, #tpu.memory_space<vmem>> -> memref<128x128xf32, #tpu.memory_space<vmem>>
    %dma_wait3A_671 = arith.constant 0 : i32
    %dma_wait3A_672 = tpu.memref_slice %arg6[%dma_wait3A_667, %dma_wait3A_671] : memref<4x128xi32, #tpu.memory_space<vmem>> -> memref<1x128xi32, #tpu.memory_space<vmem>>
    %dma_wait3A_673 = tpu.memref_squeeze %dma_wait3A_672 : memref<1x128xi32, #tpu.memory_space<vmem>> -> memref<128xi32, #tpu.memory_space<vmem>>
    %dma_wait3A_674 = arith.constant 0 : i32
    %dma_wait3A_675 = arith.constant 0 : i32
    %dma_wait3A_676 = tpu.memref_slice %arg3[%dma_wait3A_674, %dma_wait3A_675] : memref<1032x128xf32, #tpu.memory_space<hbm>> -> memref<1032x128xf32, #tpu.memory_space<hbm>>
    tpu.wait_indirect_dma semaphore(%arg8 : memref<!tpu.dma_semaphore, #tpu.memory_space<semaphore_mem>>) src(%dma_wait3A_676 : memref<1032x128xf32, #tpu.memory_space<hbm>>) dst(%dma_wait3A_670 : memref<128x128xf32, #tpu.memory_space<vmem>>)
    %dma_wait3A_677 = arith.constant 2 : i32
    %dma_wait3A_678 = arith.constant 256 : i32
    %dma_wait3A_679 = arith.constant 0 : i32
    %dma_wait3A_680 = tpu.memref_slice %arg7[%dma_wait3A_678, %dma_wait3A_679] : memref<512x128xf32, #tpu.memory_space<vmem>> -> memref<128x128xf32, #tpu.memory_space<vmem>>
    %dma_wait3A_681 = arith.constant 0 : i32
    %dma_wait3A_682 = tpu.memref_slice %arg6[%dma_wait3A_677, %dma_wait3A_681] : memref<4x128xi32, #tpu.memory_space<vmem>> -> memref<1x128xi32, #tpu.memory_space<vmem>>
    %dma_wait3A_683 = tpu.memref_squeeze %dma_wait3A_682 : memref<1x128xi32, #tpu.memory_space<vmem>> -> memref<128xi32, #tpu.memory_space<vmem>>
    %dma_wait3A_684 = arith.constant 0 : i32
    %dma_wait3A_685 = arith.constant 0 : i32
    %dma_wait3A_686 = tpu.memref_slice %arg3[%dma_wait3A_684, %dma_wait3A_685] : memref<1032x128xf32, #tpu.memory_space<hbm>> -> memref<1032x128xf32, #tpu.memory_space<hbm>>
    tpu.wait_indirect_dma semaphore(%arg8 : memref<!tpu.dma_semaphore, #tpu.memory_space<semaphore_mem>>) src(%dma_wait3A_686 : memref<1032x128xf32, #tpu.memory_space<hbm>>) dst(%dma_wait3A_680 : memref<128x128xf32, #tpu.memory_space<vmem>>)
    %dma_wait3A_687 = arith.constant 3 : i32
    %dma_wait3A_688 = arith.constant 384 : i32
    %dma_wait3A_689 = arith.constant 0 : i32
    %dma_wait3A_690 = tpu.memref_slice %arg7[%dma_wait3A_688, %dma_wait3A_689] : memref<512x128xf32, #tpu.memory_space<vmem>> -> memref<128x128xf32, #tpu.memory_space<vmem>>
    %dma_wait3A_691 = arith.constant 0 : i32
    %dma_wait3A_692 = tpu.memref_slice %arg6[%dma_wait3A_687, %dma_wait3A_691] : memref<4x128xi32, #tpu.memory_space<vmem>> -> memref<1x128xi32, #tpu.memory_space<vmem>>
    %dma_wait3A_693 = tpu.memref_squeeze %dma_wait3A_692 : memref<1x128xi32, #tpu.memory_space<vmem>> -> memref<128xi32, #tpu.memory_space<vmem>>
    %dma_wait3A_694 = arith.constant 0 : i32
    %dma_wait3A_695 = arith.constant 0 : i32
    %dma_wait3A_696 = tpu.memref_slice %arg3[%dma_wait3A_694, %dma_wait3A_695] : memref<1032x128xf32, #tpu.memory_space<hbm>> -> memref<1032x128xf32, #tpu.memory_space<hbm>>
    tpu.wait_indirect_dma semaphore(%arg8 : memref<!tpu.dma_semaphore, #tpu.memory_space<semaphore_mem>>) src(%dma_wait3A_696 : memref<1032x128xf32, #tpu.memory_space<hbm>>) dst(%dma_wait3A_690 : memref<128x128xf32, #tpu.memory_space<vmem>>)
    %mul3A_697 = arith.constant 512 : i32
    %mul3A_698 = arith.muli %add3A, %mul3A_697 : i32
    "tpu.region"() ({
      %run_scoped3A = tpu.sem_alloc : memref<!tpu.dma_semaphore, #tpu.memory_space<semaphore_mem>>
      %dma_start3A_699 = arith.constant 0 : i32
      %dma_start3A_700 = tpu.memref_slice %arg4[%mul3A_698, %dma_start3A_699] : memref<16384x128xf32, #tpu.memory_space<hbm>> -> memref<512x128xf32, #tpu.memory_space<hbm>>
      %dma_start3A_701 = arith.constant 0 : i32
      %dma_start3A_702 = tpu.memref_slice %arg4[%mul3A_698, %dma_start3A_701] : memref<16384x128xf32, #tpu.memory_space<hbm>> -> memref<512x128xf32, #tpu.memory_space<hbm>>
      tpu.enqueue_dma source(%arg7 : memref<512x128xf32, #tpu.memory_space<vmem>>) target(%dma_start3A_702 : memref<512x128xf32, #tpu.memory_space<hbm>>) target_semaphore(%run_scoped3A : memref<!tpu.dma_semaphore, #tpu.memory_space<semaphore_mem>>)
      %dma_wait3A_703 = arith.constant 0 : i32
      %dma_wait3A_704 = tpu.memref_slice %arg4[%mul3A_698, %dma_wait3A_703] : memref<16384x128xf32, #tpu.memory_space<hbm>> -> memref<512x128xf32, #tpu.memory_space<hbm>>
      %dma_wait3A_705 = arith.constant 0 : i32
      %dma_wait3A_706 = tpu.memref_slice %arg4[%mul3A_698, %dma_wait3A_705] : memref<16384x128xf32, #tpu.memory_space<hbm>> -> memref<512x128xf32, #tpu.memory_space<hbm>>
      tpu.wait_dma2 semaphore(%run_scoped3A : memref<!tpu.dma_semaphore, #tpu.memory_space<semaphore_mem>>) src(%arg7 : memref<512x128xf32, #tpu.memory_space<vmem>>) dst(%dma_wait3A_706 : memref<512x128xf32, #tpu.memory_space<hbm>>)
      tpu.yield
    }) : () -> ()
    return
  }
}

module attributes {stable_mosaic.version = 14 : i64} {
  func.func @_tc_body(%arg0: i32, %arg1: memref<16x128x128xf32, #tpu.memory_space<vmem>>, %arg2: memref<128x16xf32, #tpu.memory_space<vmem>>, %arg3: memref<128x64xf32, #tpu.memory_space<vmem>>, %arg4: memref<16x256xf32, #tpu.memory_space<vmem>>, %arg5: memref<1x256xf32, #tpu.memory_space<vmem>>, %arg6: memref<256x64xf32, #tpu.memory_space<vmem>>, %arg7: memref<1x64xf32, #tpu.memory_space<vmem>>, %arg8: memref<128x64xf32, #tpu.memory_space<vmem>>) attributes {dimension_semantics = [#tpu.dimension_semantics<arbitrary>], iteration_bounds = array<i64: 8>, scalar_prefetch = 0 : i64, scratch_operands = 0 : i64, tpu.core_type = #tpu.core_type<tc>, window_params = [{transform_indices = @transform_0, window_bounds = array<i64: 16, 128, 128>}, {transform_indices = @transform_1, window_bounds = array<i64: 128, 16>}, {transform_indices = @transform_2, window_bounds = array<i64: 128, 64>}, {pipeline_mode = #tpu.pipeline_mode<synchronous>, transform_indices = @transform_3, window_bounds = array<i64: 16, 256>}, {pipeline_mode = #tpu.pipeline_mode<synchronous>, transform_indices = @transform_4, window_bounds = array<i64: 1, 256>}, {pipeline_mode = #tpu.pipeline_mode<synchronous>, transform_indices = @transform_5, window_bounds = array<i64: 256, 64>}, {pipeline_mode = #tpu.pipeline_mode<synchronous>, transform_indices = @transform_6, window_bounds = array<i64: 1, 64>}, {transform_indices = @transform_7, window_bounds = array<i64: 128, 64>}]} {
    %get3A = arith.constant 0 : index
    %get3A_0 = arith.constant 0 : index
    %get3A_1 = vector.load %arg2[%get3A, %get3A_0] : memref<128x16xf32, #tpu.memory_space<vmem>>, vector<128x16xf32>
    %get3A_2 = arith.constant 0 : index
    %get3A_3 = arith.constant 0 : index
    %get3A_4 = vector.load %arg4[%get3A_2, %get3A_3] : memref<16x256xf32, #tpu.memory_space<vmem>>, vector<16x256xf32>
    %get3A_5 = arith.constant 0 : index
    %get3A_6 = arith.constant 0 : index
    %get3A_7 = vector.load %arg5[%get3A_5, %get3A_6] : memref<1x256xf32, #tpu.memory_space<vmem>>, vector<1x256xf32>
    %broadcast_in_dim3A = arith.constant 0.000000e+00 : f32
    %broadcast_in_dim3A_8 = vector.broadcast %broadcast_in_dim3A : f32 to vector<128x256xf32>
    %get3A_9 = arith.constant 0 : index
    %get3A_10 = arith.constant 0 : index
    %get3A_11 = arith.constant 0 : index
    %get3A_12 = vector.load %arg1[%get3A_9, %get3A_10, %get3A_11] : memref<16x128x128xf32, #tpu.memory_space<vmem>>, vector<1x128x128xf32>
    %get3A_13 = vector.shape_cast %get3A_12 : vector<1x128x128xf32> to vector<128x128xf32>
    %slice3A = vector.extract_strided_slice %get3A_13 {offsets = [0, 64], sizes = [128, 16], strides = [1, 1]} : vector<128x128xf32> to vector<128x16xf32>
    %sub3A = arith.subf %slice3A, %get3A_1 : vector<128x16xf32>
    %dot_general3A = arith.constant dense<0.000000e+00> : vector<128x256xf32>
    %dot_general3A_14 = tpu.matmul %sub3A, %get3A_4, %dot_general3A {dimension_numbers = #tpu.dot_dimension_numbers<[1], [0], [0], [1], [0, 0, 1, 1], [], []>, transpose_lhs_hint = false} : vector<128x16xf32>, vector<16x256xf32>, vector<128x256xf32> -> vector<128x256xf32>
    %add3A = vector.broadcast %get3A_7 : vector<1x256xf32> to vector<128x256xf32>
    %add3A_15 = arith.addf %dot_general3A_14, %add3A : vector<128x256xf32>
    %max3A = arith.constant 0.000000e+00 : f32
    %max3A_16 = vector.broadcast %max3A : f32 to vector<128x256xf32>
    %max3A_17 = arith.maximumf %add3A_15, %max3A_16 : vector<128x256xf32>
    %slice3A_18 = vector.extract_strided_slice %get3A_13 {offsets = [0, 0], sizes = [128, 64], strides = [1, 1]} : vector<128x128xf32> to vector<128x64xf32>
    %concatenate3A = tpu.concatenate %slice3A_18, %slice3A_18, %slice3A_18, %slice3A_18 in 1 : vector<128x64xf32>, vector<128x64xf32>, vector<128x64xf32>, vector<128x64xf32> -> vector<128x256xf32>
    %mul3A = arith.mulf %concatenate3A, %max3A_17 : vector<128x256xf32>
    %add3A_19 = arith.addf %broadcast_in_dim3A_8, %mul3A : vector<128x256xf32>
    %get3A_20 = arith.constant 1 : index
    %get3A_21 = arith.constant 0 : index
    %get3A_22 = arith.constant 0 : index
    %get3A_23 = vector.load %arg1[%get3A_20, %get3A_21, %get3A_22] : memref<16x128x128xf32, #tpu.memory_space<vmem>>, vector<1x128x128xf32>
    %get3A_24 = vector.shape_cast %get3A_23 : vector<1x128x128xf32> to vector<128x128xf32>
    %slice3A_25 = vector.extract_strided_slice %get3A_24 {offsets = [0, 64], sizes = [128, 16], strides = [1, 1]} : vector<128x128xf32> to vector<128x16xf32>
    %sub3A_26 = arith.subf %slice3A_25, %get3A_1 : vector<128x16xf32>
    %dot_general3A_27 = arith.constant dense<0.000000e+00> : vector<128x256xf32>
    %dot_general3A_28 = tpu.matmul %sub3A_26, %get3A_4, %dot_general3A_27 {dimension_numbers = #tpu.dot_dimension_numbers<[1], [0], [0], [1], [0, 0, 1, 1], [], []>, transpose_lhs_hint = false} : vector<128x16xf32>, vector<16x256xf32>, vector<128x256xf32> -> vector<128x256xf32>
    %add3A_29 = vector.broadcast %get3A_7 : vector<1x256xf32> to vector<128x256xf32>
    %add3A_30 = arith.addf %dot_general3A_28, %add3A_29 : vector<128x256xf32>
    %max3A_31 = arith.constant 0.000000e+00 : f32
    %max3A_32 = vector.broadcast %max3A_31 : f32 to vector<128x256xf32>
    %max3A_33 = arith.maximumf %add3A_30, %max3A_32 : vector<128x256xf32>
    %slice3A_34 = vector.extract_strided_slice %get3A_24 {offsets = [0, 0], sizes = [128, 64], strides = [1, 1]} : vector<128x128xf32> to vector<128x64xf32>
    %concatenate3A_35 = tpu.concatenate %slice3A_34, %slice3A_34, %slice3A_34, %slice3A_34 in 1 : vector<128x64xf32>, vector<128x64xf32>, vector<128x64xf32>, vector<128x64xf32> -> vector<128x256xf32>
    %mul3A_36 = arith.mulf %concatenate3A_35, %max3A_33 : vector<128x256xf32>
    %add3A_37 = arith.addf %add3A_19, %mul3A_36 : vector<128x256xf32>
    %get3A_38 = arith.constant 2 : index
    %get3A_39 = arith.constant 0 : index
    %get3A_40 = arith.constant 0 : index
    %get3A_41 = vector.load %arg1[%get3A_38, %get3A_39, %get3A_40] : memref<16x128x128xf32, #tpu.memory_space<vmem>>, vector<1x128x128xf32>
    %get3A_42 = vector.shape_cast %get3A_41 : vector<1x128x128xf32> to vector<128x128xf32>
    %slice3A_43 = vector.extract_strided_slice %get3A_42 {offsets = [0, 64], sizes = [128, 16], strides = [1, 1]} : vector<128x128xf32> to vector<128x16xf32>
    %sub3A_44 = arith.subf %slice3A_43, %get3A_1 : vector<128x16xf32>
    %dot_general3A_45 = arith.constant dense<0.000000e+00> : vector<128x256xf32>
    %dot_general3A_46 = tpu.matmul %sub3A_44, %get3A_4, %dot_general3A_45 {dimension_numbers = #tpu.dot_dimension_numbers<[1], [0], [0], [1], [0, 0, 1, 1], [], []>, transpose_lhs_hint = false} : vector<128x16xf32>, vector<16x256xf32>, vector<128x256xf32> -> vector<128x256xf32>
    %add3A_47 = vector.broadcast %get3A_7 : vector<1x256xf32> to vector<128x256xf32>
    %add3A_48 = arith.addf %dot_general3A_46, %add3A_47 : vector<128x256xf32>
    %max3A_49 = arith.constant 0.000000e+00 : f32
    %max3A_50 = vector.broadcast %max3A_49 : f32 to vector<128x256xf32>
    %max3A_51 = arith.maximumf %add3A_48, %max3A_50 : vector<128x256xf32>
    %slice3A_52 = vector.extract_strided_slice %get3A_42 {offsets = [0, 0], sizes = [128, 64], strides = [1, 1]} : vector<128x128xf32> to vector<128x64xf32>
    %concatenate3A_53 = tpu.concatenate %slice3A_52, %slice3A_52, %slice3A_52, %slice3A_52 in 1 : vector<128x64xf32>, vector<128x64xf32>, vector<128x64xf32>, vector<128x64xf32> -> vector<128x256xf32>
    %mul3A_54 = arith.mulf %concatenate3A_53, %max3A_51 : vector<128x256xf32>
    %add3A_55 = arith.addf %add3A_37, %mul3A_54 : vector<128x256xf32>
    %get3A_56 = arith.constant 3 : index
    %get3A_57 = arith.constant 0 : index
    %get3A_58 = arith.constant 0 : index
    %get3A_59 = vector.load %arg1[%get3A_56, %get3A_57, %get3A_58] : memref<16x128x128xf32, #tpu.memory_space<vmem>>, vector<1x128x128xf32>
    %get3A_60 = vector.shape_cast %get3A_59 : vector<1x128x128xf32> to vector<128x128xf32>
    %slice3A_61 = vector.extract_strided_slice %get3A_60 {offsets = [0, 64], sizes = [128, 16], strides = [1, 1]} : vector<128x128xf32> to vector<128x16xf32>
    %sub3A_62 = arith.subf %slice3A_61, %get3A_1 : vector<128x16xf32>
    %dot_general3A_63 = arith.constant dense<0.000000e+00> : vector<128x256xf32>
    %dot_general3A_64 = tpu.matmul %sub3A_62, %get3A_4, %dot_general3A_63 {dimension_numbers = #tpu.dot_dimension_numbers<[1], [0], [0], [1], [0, 0, 1, 1], [], []>, transpose_lhs_hint = false} : vector<128x16xf32>, vector<16x256xf32>, vector<128x256xf32> -> vector<128x256xf32>
    %add3A_65 = vector.broadcast %get3A_7 : vector<1x256xf32> to vector<128x256xf32>
    %add3A_66 = arith.addf %dot_general3A_64, %add3A_65 : vector<128x256xf32>
    %max3A_67 = arith.constant 0.000000e+00 : f32
    %max3A_68 = vector.broadcast %max3A_67 : f32 to vector<128x256xf32>
    %max3A_69 = arith.maximumf %add3A_66, %max3A_68 : vector<128x256xf32>
    %slice3A_70 = vector.extract_strided_slice %get3A_60 {offsets = [0, 0], sizes = [128, 64], strides = [1, 1]} : vector<128x128xf32> to vector<128x64xf32>
    %concatenate3A_71 = tpu.concatenate %slice3A_70, %slice3A_70, %slice3A_70, %slice3A_70 in 1 : vector<128x64xf32>, vector<128x64xf32>, vector<128x64xf32>, vector<128x64xf32> -> vector<128x256xf32>
    %mul3A_72 = arith.mulf %concatenate3A_71, %max3A_69 : vector<128x256xf32>
    %add3A_73 = arith.addf %add3A_55, %mul3A_72 : vector<128x256xf32>
    %get3A_74 = arith.constant 4 : index
    %get3A_75 = arith.constant 0 : index
    %get3A_76 = arith.constant 0 : index
    %get3A_77 = vector.load %arg1[%get3A_74, %get3A_75, %get3A_76] : memref<16x128x128xf32, #tpu.memory_space<vmem>>, vector<1x128x128xf32>
    %get3A_78 = vector.shape_cast %get3A_77 : vector<1x128x128xf32> to vector<128x128xf32>
    %slice3A_79 = vector.extract_strided_slice %get3A_78 {offsets = [0, 64], sizes = [128, 16], strides = [1, 1]} : vector<128x128xf32> to vector<128x16xf32>
    %sub3A_80 = arith.subf %slice3A_79, %get3A_1 : vector<128x16xf32>
    %dot_general3A_81 = arith.constant dense<0.000000e+00> : vector<128x256xf32>
    %dot_general3A_82 = tpu.matmul %sub3A_80, %get3A_4, %dot_general3A_81 {dimension_numbers = #tpu.dot_dimension_numbers<[1], [0], [0], [1], [0, 0, 1, 1], [], []>, transpose_lhs_hint = false} : vector<128x16xf32>, vector<16x256xf32>, vector<128x256xf32> -> vector<128x256xf32>
    %add3A_83 = vector.broadcast %get3A_7 : vector<1x256xf32> to vector<128x256xf32>
    %add3A_84 = arith.addf %dot_general3A_82, %add3A_83 : vector<128x256xf32>
    %max3A_85 = arith.constant 0.000000e+00 : f32
    %max3A_86 = vector.broadcast %max3A_85 : f32 to vector<128x256xf32>
    %max3A_87 = arith.maximumf %add3A_84, %max3A_86 : vector<128x256xf32>
    %slice3A_88 = vector.extract_strided_slice %get3A_78 {offsets = [0, 0], sizes = [128, 64], strides = [1, 1]} : vector<128x128xf32> to vector<128x64xf32>
    %concatenate3A_89 = tpu.concatenate %slice3A_88, %slice3A_88, %slice3A_88, %slice3A_88 in 1 : vector<128x64xf32>, vector<128x64xf32>, vector<128x64xf32>, vector<128x64xf32> -> vector<128x256xf32>
    %mul3A_90 = arith.mulf %concatenate3A_89, %max3A_87 : vector<128x256xf32>
    %add3A_91 = arith.addf %add3A_73, %mul3A_90 : vector<128x256xf32>
    %get3A_92 = arith.constant 5 : index
    %get3A_93 = arith.constant 0 : index
    %get3A_94 = arith.constant 0 : index
    %get3A_95 = vector.load %arg1[%get3A_92, %get3A_93, %get3A_94] : memref<16x128x128xf32, #tpu.memory_space<vmem>>, vector<1x128x128xf32>
    %get3A_96 = vector.shape_cast %get3A_95 : vector<1x128x128xf32> to vector<128x128xf32>
    %slice3A_97 = vector.extract_strided_slice %get3A_96 {offsets = [0, 64], sizes = [128, 16], strides = [1, 1]} : vector<128x128xf32> to vector<128x16xf32>
    %sub3A_98 = arith.subf %slice3A_97, %get3A_1 : vector<128x16xf32>
    %dot_general3A_99 = arith.constant dense<0.000000e+00> : vector<128x256xf32>
    %dot_general3A_100 = tpu.matmul %sub3A_98, %get3A_4, %dot_general3A_99 {dimension_numbers = #tpu.dot_dimension_numbers<[1], [0], [0], [1], [0, 0, 1, 1], [], []>, transpose_lhs_hint = false} : vector<128x16xf32>, vector<16x256xf32>, vector<128x256xf32> -> vector<128x256xf32>
    %add3A_101 = vector.broadcast %get3A_7 : vector<1x256xf32> to vector<128x256xf32>
    %add3A_102 = arith.addf %dot_general3A_100, %add3A_101 : vector<128x256xf32>
    %max3A_103 = arith.constant 0.000000e+00 : f32
    %max3A_104 = vector.broadcast %max3A_103 : f32 to vector<128x256xf32>
    %max3A_105 = arith.maximumf %add3A_102, %max3A_104 : vector<128x256xf32>
    %slice3A_106 = vector.extract_strided_slice %get3A_96 {offsets = [0, 0], sizes = [128, 64], strides = [1, 1]} : vector<128x128xf32> to vector<128x64xf32>
    %concatenate3A_107 = tpu.concatenate %slice3A_106, %slice3A_106, %slice3A_106, %slice3A_106 in 1 : vector<128x64xf32>, vector<128x64xf32>, vector<128x64xf32>, vector<128x64xf32> -> vector<128x256xf32>
    %mul3A_108 = arith.mulf %concatenate3A_107, %max3A_105 : vector<128x256xf32>
    %add3A_109 = arith.addf %add3A_91, %mul3A_108 : vector<128x256xf32>
    %get3A_110 = arith.constant 6 : index
    %get3A_111 = arith.constant 0 : index
    %get3A_112 = arith.constant 0 : index
    %get3A_113 = vector.load %arg1[%get3A_110, %get3A_111, %get3A_112] : memref<16x128x128xf32, #tpu.memory_space<vmem>>, vector<1x128x128xf32>
    %get3A_114 = vector.shape_cast %get3A_113 : vector<1x128x128xf32> to vector<128x128xf32>
    %slice3A_115 = vector.extract_strided_slice %get3A_114 {offsets = [0, 64], sizes = [128, 16], strides = [1, 1]} : vector<128x128xf32> to vector<128x16xf32>
    %sub3A_116 = arith.subf %slice3A_115, %get3A_1 : vector<128x16xf32>
    %dot_general3A_117 = arith.constant dense<0.000000e+00> : vector<128x256xf32>
    %dot_general3A_118 = tpu.matmul %sub3A_116, %get3A_4, %dot_general3A_117 {dimension_numbers = #tpu.dot_dimension_numbers<[1], [0], [0], [1], [0, 0, 1, 1], [], []>, transpose_lhs_hint = false} : vector<128x16xf32>, vector<16x256xf32>, vector<128x256xf32> -> vector<128x256xf32>
    %add3A_119 = vector.broadcast %get3A_7 : vector<1x256xf32> to vector<128x256xf32>
    %add3A_120 = arith.addf %dot_general3A_118, %add3A_119 : vector<128x256xf32>
    %max3A_121 = arith.constant 0.000000e+00 : f32
    %max3A_122 = vector.broadcast %max3A_121 : f32 to vector<128x256xf32>
    %max3A_123 = arith.maximumf %add3A_120, %max3A_122 : vector<128x256xf32>
    %slice3A_124 = vector.extract_strided_slice %get3A_114 {offsets = [0, 0], sizes = [128, 64], strides = [1, 1]} : vector<128x128xf32> to vector<128x64xf32>
    %concatenate3A_125 = tpu.concatenate %slice3A_124, %slice3A_124, %slice3A_124, %slice3A_124 in 1 : vector<128x64xf32>, vector<128x64xf32>, vector<128x64xf32>, vector<128x64xf32> -> vector<128x256xf32>
    %mul3A_126 = arith.mulf %concatenate3A_125, %max3A_123 : vector<128x256xf32>
    %add3A_127 = arith.addf %add3A_109, %mul3A_126 : vector<128x256xf32>
    %get3A_128 = arith.constant 7 : index
    %get3A_129 = arith.constant 0 : index
    %get3A_130 = arith.constant 0 : index
    %get3A_131 = vector.load %arg1[%get3A_128, %get3A_129, %get3A_130] : memref<16x128x128xf32, #tpu.memory_space<vmem>>, vector<1x128x128xf32>
    %get3A_132 = vector.shape_cast %get3A_131 : vector<1x128x128xf32> to vector<128x128xf32>
    %slice3A_133 = vector.extract_strided_slice %get3A_132 {offsets = [0, 64], sizes = [128, 16], strides = [1, 1]} : vector<128x128xf32> to vector<128x16xf32>
    %sub3A_134 = arith.subf %slice3A_133, %get3A_1 : vector<128x16xf32>
    %dot_general3A_135 = arith.constant dense<0.000000e+00> : vector<128x256xf32>
    %dot_general3A_136 = tpu.matmul %sub3A_134, %get3A_4, %dot_general3A_135 {dimension_numbers = #tpu.dot_dimension_numbers<[1], [0], [0], [1], [0, 0, 1, 1], [], []>, transpose_lhs_hint = false} : vector<128x16xf32>, vector<16x256xf32>, vector<128x256xf32> -> vector<128x256xf32>
    %add3A_137 = vector.broadcast %get3A_7 : vector<1x256xf32> to vector<128x256xf32>
    %add3A_138 = arith.addf %dot_general3A_136, %add3A_137 : vector<128x256xf32>
    %max3A_139 = arith.constant 0.000000e+00 : f32
    %max3A_140 = vector.broadcast %max3A_139 : f32 to vector<128x256xf32>
    %max3A_141 = arith.maximumf %add3A_138, %max3A_140 : vector<128x256xf32>
    %slice3A_142 = vector.extract_strided_slice %get3A_132 {offsets = [0, 0], sizes = [128, 64], strides = [1, 1]} : vector<128x128xf32> to vector<128x64xf32>
    %concatenate3A_143 = tpu.concatenate %slice3A_142, %slice3A_142, %slice3A_142, %slice3A_142 in 1 : vector<128x64xf32>, vector<128x64xf32>, vector<128x64xf32>, vector<128x64xf32> -> vector<128x256xf32>
    %mul3A_144 = arith.mulf %concatenate3A_143, %max3A_141 : vector<128x256xf32>
    %add3A_145 = arith.addf %add3A_127, %mul3A_144 : vector<128x256xf32>
    %get3A_146 = arith.constant 8 : index
    %get3A_147 = arith.constant 0 : index
    %get3A_148 = arith.constant 0 : index
    %get3A_149 = vector.load %arg1[%get3A_146, %get3A_147, %get3A_148] : memref<16x128x128xf32, #tpu.memory_space<vmem>>, vector<1x128x128xf32>
    %get3A_150 = vector.shape_cast %get3A_149 : vector<1x128x128xf32> to vector<128x128xf32>
    %slice3A_151 = vector.extract_strided_slice %get3A_150 {offsets = [0, 64], sizes = [128, 16], strides = [1, 1]} : vector<128x128xf32> to vector<128x16xf32>
    %sub3A_152 = arith.subf %slice3A_151, %get3A_1 : vector<128x16xf32>
    %dot_general3A_153 = arith.constant dense<0.000000e+00> : vector<128x256xf32>
    %dot_general3A_154 = tpu.matmul %sub3A_152, %get3A_4, %dot_general3A_153 {dimension_numbers = #tpu.dot_dimension_numbers<[1], [0], [0], [1], [0, 0, 1, 1], [], []>, transpose_lhs_hint = false} : vector<128x16xf32>, vector<16x256xf32>, vector<128x256xf32> -> vector<128x256xf32>
    %add3A_155 = vector.broadcast %get3A_7 : vector<1x256xf32> to vector<128x256xf32>
    %add3A_156 = arith.addf %dot_general3A_154, %add3A_155 : vector<128x256xf32>
    %max3A_157 = arith.constant 0.000000e+00 : f32
    %max3A_158 = vector.broadcast %max3A_157 : f32 to vector<128x256xf32>
    %max3A_159 = arith.maximumf %add3A_156, %max3A_158 : vector<128x256xf32>
    %slice3A_160 = vector.extract_strided_slice %get3A_150 {offsets = [0, 0], sizes = [128, 64], strides = [1, 1]} : vector<128x128xf32> to vector<128x64xf32>
    %concatenate3A_161 = tpu.concatenate %slice3A_160, %slice3A_160, %slice3A_160, %slice3A_160 in 1 : vector<128x64xf32>, vector<128x64xf32>, vector<128x64xf32>, vector<128x64xf32> -> vector<128x256xf32>
    %mul3A_162 = arith.mulf %concatenate3A_161, %max3A_159 : vector<128x256xf32>
    %add3A_163 = arith.addf %add3A_145, %mul3A_162 : vector<128x256xf32>
    %get3A_164 = arith.constant 9 : index
    %get3A_165 = arith.constant 0 : index
    %get3A_166 = arith.constant 0 : index
    %get3A_167 = vector.load %arg1[%get3A_164, %get3A_165, %get3A_166] : memref<16x128x128xf32, #tpu.memory_space<vmem>>, vector<1x128x128xf32>
    %get3A_168 = vector.shape_cast %get3A_167 : vector<1x128x128xf32> to vector<128x128xf32>
    %slice3A_169 = vector.extract_strided_slice %get3A_168 {offsets = [0, 64], sizes = [128, 16], strides = [1, 1]} : vector<128x128xf32> to vector<128x16xf32>
    %sub3A_170 = arith.subf %slice3A_169, %get3A_1 : vector<128x16xf32>
    %dot_general3A_171 = arith.constant dense<0.000000e+00> : vector<128x256xf32>
    %dot_general3A_172 = tpu.matmul %sub3A_170, %get3A_4, %dot_general3A_171 {dimension_numbers = #tpu.dot_dimension_numbers<[1], [0], [0], [1], [0, 0, 1, 1], [], []>, transpose_lhs_hint = false} : vector<128x16xf32>, vector<16x256xf32>, vector<128x256xf32> -> vector<128x256xf32>
    %add3A_173 = vector.broadcast %get3A_7 : vector<1x256xf32> to vector<128x256xf32>
    %add3A_174 = arith.addf %dot_general3A_172, %add3A_173 : vector<128x256xf32>
    %max3A_175 = arith.constant 0.000000e+00 : f32
    %max3A_176 = vector.broadcast %max3A_175 : f32 to vector<128x256xf32>
    %max3A_177 = arith.maximumf %add3A_174, %max3A_176 : vector<128x256xf32>
    %slice3A_178 = vector.extract_strided_slice %get3A_168 {offsets = [0, 0], sizes = [128, 64], strides = [1, 1]} : vector<128x128xf32> to vector<128x64xf32>
    %concatenate3A_179 = tpu.concatenate %slice3A_178, %slice3A_178, %slice3A_178, %slice3A_178 in 1 : vector<128x64xf32>, vector<128x64xf32>, vector<128x64xf32>, vector<128x64xf32> -> vector<128x256xf32>
    %mul3A_180 = arith.mulf %concatenate3A_179, %max3A_177 : vector<128x256xf32>
    %add3A_181 = arith.addf %add3A_163, %mul3A_180 : vector<128x256xf32>
    %get3A_182 = arith.constant 10 : index
    %get3A_183 = arith.constant 0 : index
    %get3A_184 = arith.constant 0 : index
    %get3A_185 = vector.load %arg1[%get3A_182, %get3A_183, %get3A_184] : memref<16x128x128xf32, #tpu.memory_space<vmem>>, vector<1x128x128xf32>
    %get3A_186 = vector.shape_cast %get3A_185 : vector<1x128x128xf32> to vector<128x128xf32>
    %slice3A_187 = vector.extract_strided_slice %get3A_186 {offsets = [0, 64], sizes = [128, 16], strides = [1, 1]} : vector<128x128xf32> to vector<128x16xf32>
    %sub3A_188 = arith.subf %slice3A_187, %get3A_1 : vector<128x16xf32>
    %dot_general3A_189 = arith.constant dense<0.000000e+00> : vector<128x256xf32>
    %dot_general3A_190 = tpu.matmul %sub3A_188, %get3A_4, %dot_general3A_189 {dimension_numbers = #tpu.dot_dimension_numbers<[1], [0], [0], [1], [0, 0, 1, 1], [], []>, transpose_lhs_hint = false} : vector<128x16xf32>, vector<16x256xf32>, vector<128x256xf32> -> vector<128x256xf32>
    %add3A_191 = vector.broadcast %get3A_7 : vector<1x256xf32> to vector<128x256xf32>
    %add3A_192 = arith.addf %dot_general3A_190, %add3A_191 : vector<128x256xf32>
    %max3A_193 = arith.constant 0.000000e+00 : f32
    %max3A_194 = vector.broadcast %max3A_193 : f32 to vector<128x256xf32>
    %max3A_195 = arith.maximumf %add3A_192, %max3A_194 : vector<128x256xf32>
    %slice3A_196 = vector.extract_strided_slice %get3A_186 {offsets = [0, 0], sizes = [128, 64], strides = [1, 1]} : vector<128x128xf32> to vector<128x64xf32>
    %concatenate3A_197 = tpu.concatenate %slice3A_196, %slice3A_196, %slice3A_196, %slice3A_196 in 1 : vector<128x64xf32>, vector<128x64xf32>, vector<128x64xf32>, vector<128x64xf32> -> vector<128x256xf32>
    %mul3A_198 = arith.mulf %concatenate3A_197, %max3A_195 : vector<128x256xf32>
    %add3A_199 = arith.addf %add3A_181, %mul3A_198 : vector<128x256xf32>
    %get3A_200 = arith.constant 11 : index
    %get3A_201 = arith.constant 0 : index
    %get3A_202 = arith.constant 0 : index
    %get3A_203 = vector.load %arg1[%get3A_200, %get3A_201, %get3A_202] : memref<16x128x128xf32, #tpu.memory_space<vmem>>, vector<1x128x128xf32>
    %get3A_204 = vector.shape_cast %get3A_203 : vector<1x128x128xf32> to vector<128x128xf32>
    %slice3A_205 = vector.extract_strided_slice %get3A_204 {offsets = [0, 64], sizes = [128, 16], strides = [1, 1]} : vector<128x128xf32> to vector<128x16xf32>
    %sub3A_206 = arith.subf %slice3A_205, %get3A_1 : vector<128x16xf32>
    %dot_general3A_207 = arith.constant dense<0.000000e+00> : vector<128x256xf32>
    %dot_general3A_208 = tpu.matmul %sub3A_206, %get3A_4, %dot_general3A_207 {dimension_numbers = #tpu.dot_dimension_numbers<[1], [0], [0], [1], [0, 0, 1, 1], [], []>, transpose_lhs_hint = false} : vector<128x16xf32>, vector<16x256xf32>, vector<128x256xf32> -> vector<128x256xf32>
    %add3A_209 = vector.broadcast %get3A_7 : vector<1x256xf32> to vector<128x256xf32>
    %add3A_210 = arith.addf %dot_general3A_208, %add3A_209 : vector<128x256xf32>
    %max3A_211 = arith.constant 0.000000e+00 : f32
    %max3A_212 = vector.broadcast %max3A_211 : f32 to vector<128x256xf32>
    %max3A_213 = arith.maximumf %add3A_210, %max3A_212 : vector<128x256xf32>
    %slice3A_214 = vector.extract_strided_slice %get3A_204 {offsets = [0, 0], sizes = [128, 64], strides = [1, 1]} : vector<128x128xf32> to vector<128x64xf32>
    %concatenate3A_215 = tpu.concatenate %slice3A_214, %slice3A_214, %slice3A_214, %slice3A_214 in 1 : vector<128x64xf32>, vector<128x64xf32>, vector<128x64xf32>, vector<128x64xf32> -> vector<128x256xf32>
    %mul3A_216 = arith.mulf %concatenate3A_215, %max3A_213 : vector<128x256xf32>
    %add3A_217 = arith.addf %add3A_199, %mul3A_216 : vector<128x256xf32>
    %get3A_218 = arith.constant 12 : index
    %get3A_219 = arith.constant 0 : index
    %get3A_220 = arith.constant 0 : index
    %get3A_221 = vector.load %arg1[%get3A_218, %get3A_219, %get3A_220] : memref<16x128x128xf32, #tpu.memory_space<vmem>>, vector<1x128x128xf32>
    %get3A_222 = vector.shape_cast %get3A_221 : vector<1x128x128xf32> to vector<128x128xf32>
    %slice3A_223 = vector.extract_strided_slice %get3A_222 {offsets = [0, 64], sizes = [128, 16], strides = [1, 1]} : vector<128x128xf32> to vector<128x16xf32>
    %sub3A_224 = arith.subf %slice3A_223, %get3A_1 : vector<128x16xf32>
    %dot_general3A_225 = arith.constant dense<0.000000e+00> : vector<128x256xf32>
    %dot_general3A_226 = tpu.matmul %sub3A_224, %get3A_4, %dot_general3A_225 {dimension_numbers = #tpu.dot_dimension_numbers<[1], [0], [0], [1], [0, 0, 1, 1], [], []>, transpose_lhs_hint = false} : vector<128x16xf32>, vector<16x256xf32>, vector<128x256xf32> -> vector<128x256xf32>
    %add3A_227 = vector.broadcast %get3A_7 : vector<1x256xf32> to vector<128x256xf32>
    %add3A_228 = arith.addf %dot_general3A_226, %add3A_227 : vector<128x256xf32>
    %max3A_229 = arith.constant 0.000000e+00 : f32
    %max3A_230 = vector.broadcast %max3A_229 : f32 to vector<128x256xf32>
    %max3A_231 = arith.maximumf %add3A_228, %max3A_230 : vector<128x256xf32>
    %slice3A_232 = vector.extract_strided_slice %get3A_222 {offsets = [0, 0], sizes = [128, 64], strides = [1, 1]} : vector<128x128xf32> to vector<128x64xf32>
    %concatenate3A_233 = tpu.concatenate %slice3A_232, %slice3A_232, %slice3A_232, %slice3A_232 in 1 : vector<128x64xf32>, vector<128x64xf32>, vector<128x64xf32>, vector<128x64xf32> -> vector<128x256xf32>
    %mul3A_234 = arith.mulf %concatenate3A_233, %max3A_231 : vector<128x256xf32>
    %add3A_235 = arith.addf %add3A_217, %mul3A_234 : vector<128x256xf32>
    %get3A_236 = arith.constant 13 : index
    %get3A_237 = arith.constant 0 : index
    %get3A_238 = arith.constant 0 : index
    %get3A_239 = vector.load %arg1[%get3A_236, %get3A_237, %get3A_238] : memref<16x128x128xf32, #tpu.memory_space<vmem>>, vector<1x128x128xf32>
    %get3A_240 = vector.shape_cast %get3A_239 : vector<1x128x128xf32> to vector<128x128xf32>
    %slice3A_241 = vector.extract_strided_slice %get3A_240 {offsets = [0, 64], sizes = [128, 16], strides = [1, 1]} : vector<128x128xf32> to vector<128x16xf32>
    %sub3A_242 = arith.subf %slice3A_241, %get3A_1 : vector<128x16xf32>
    %dot_general3A_243 = arith.constant dense<0.000000e+00> : vector<128x256xf32>
    %dot_general3A_244 = tpu.matmul %sub3A_242, %get3A_4, %dot_general3A_243 {dimension_numbers = #tpu.dot_dimension_numbers<[1], [0], [0], [1], [0, 0, 1, 1], [], []>, transpose_lhs_hint = false} : vector<128x16xf32>, vector<16x256xf32>, vector<128x256xf32> -> vector<128x256xf32>
    %add3A_245 = vector.broadcast %get3A_7 : vector<1x256xf32> to vector<128x256xf32>
    %add3A_246 = arith.addf %dot_general3A_244, %add3A_245 : vector<128x256xf32>
    %max3A_247 = arith.constant 0.000000e+00 : f32
    %max3A_248 = vector.broadcast %max3A_247 : f32 to vector<128x256xf32>
    %max3A_249 = arith.maximumf %add3A_246, %max3A_248 : vector<128x256xf32>
    %slice3A_250 = vector.extract_strided_slice %get3A_240 {offsets = [0, 0], sizes = [128, 64], strides = [1, 1]} : vector<128x128xf32> to vector<128x64xf32>
    %concatenate3A_251 = tpu.concatenate %slice3A_250, %slice3A_250, %slice3A_250, %slice3A_250 in 1 : vector<128x64xf32>, vector<128x64xf32>, vector<128x64xf32>, vector<128x64xf32> -> vector<128x256xf32>
    %mul3A_252 = arith.mulf %concatenate3A_251, %max3A_249 : vector<128x256xf32>
    %add3A_253 = arith.addf %add3A_235, %mul3A_252 : vector<128x256xf32>
    %get3A_254 = arith.constant 14 : index
    %get3A_255 = arith.constant 0 : index
    %get3A_256 = arith.constant 0 : index
    %get3A_257 = vector.load %arg1[%get3A_254, %get3A_255, %get3A_256] : memref<16x128x128xf32, #tpu.memory_space<vmem>>, vector<1x128x128xf32>
    %get3A_258 = vector.shape_cast %get3A_257 : vector<1x128x128xf32> to vector<128x128xf32>
    %slice3A_259 = vector.extract_strided_slice %get3A_258 {offsets = [0, 64], sizes = [128, 16], strides = [1, 1]} : vector<128x128xf32> to vector<128x16xf32>
    %sub3A_260 = arith.subf %slice3A_259, %get3A_1 : vector<128x16xf32>
    %dot_general3A_261 = arith.constant dense<0.000000e+00> : vector<128x256xf32>
    %dot_general3A_262 = tpu.matmul %sub3A_260, %get3A_4, %dot_general3A_261 {dimension_numbers = #tpu.dot_dimension_numbers<[1], [0], [0], [1], [0, 0, 1, 1], [], []>, transpose_lhs_hint = false} : vector<128x16xf32>, vector<16x256xf32>, vector<128x256xf32> -> vector<128x256xf32>
    %add3A_263 = vector.broadcast %get3A_7 : vector<1x256xf32> to vector<128x256xf32>
    %add3A_264 = arith.addf %dot_general3A_262, %add3A_263 : vector<128x256xf32>
    %max3A_265 = arith.constant 0.000000e+00 : f32
    %max3A_266 = vector.broadcast %max3A_265 : f32 to vector<128x256xf32>
    %max3A_267 = arith.maximumf %add3A_264, %max3A_266 : vector<128x256xf32>
    %slice3A_268 = vector.extract_strided_slice %get3A_258 {offsets = [0, 0], sizes = [128, 64], strides = [1, 1]} : vector<128x128xf32> to vector<128x64xf32>
    %concatenate3A_269 = tpu.concatenate %slice3A_268, %slice3A_268, %slice3A_268, %slice3A_268 in 1 : vector<128x64xf32>, vector<128x64xf32>, vector<128x64xf32>, vector<128x64xf32> -> vector<128x256xf32>
    %mul3A_270 = arith.mulf %concatenate3A_269, %max3A_267 : vector<128x256xf32>
    %add3A_271 = arith.addf %add3A_253, %mul3A_270 : vector<128x256xf32>
    %get3A_272 = arith.constant 15 : index
    %get3A_273 = arith.constant 0 : index
    %get3A_274 = arith.constant 0 : index
    %get3A_275 = vector.load %arg1[%get3A_272, %get3A_273, %get3A_274] : memref<16x128x128xf32, #tpu.memory_space<vmem>>, vector<1x128x128xf32>
    %get3A_276 = vector.shape_cast %get3A_275 : vector<1x128x128xf32> to vector<128x128xf32>
    %slice3A_277 = vector.extract_strided_slice %get3A_276 {offsets = [0, 64], sizes = [128, 16], strides = [1, 1]} : vector<128x128xf32> to vector<128x16xf32>
    %sub3A_278 = arith.subf %slice3A_277, %get3A_1 : vector<128x16xf32>
    %dot_general3A_279 = arith.constant dense<0.000000e+00> : vector<128x256xf32>
    %dot_general3A_280 = tpu.matmul %sub3A_278, %get3A_4, %dot_general3A_279 {dimension_numbers = #tpu.dot_dimension_numbers<[1], [0], [0], [1], [0, 0, 1, 1], [], []>, transpose_lhs_hint = false} : vector<128x16xf32>, vector<16x256xf32>, vector<128x256xf32> -> vector<128x256xf32>
    %add3A_281 = vector.broadcast %get3A_7 : vector<1x256xf32> to vector<128x256xf32>
    %add3A_282 = arith.addf %dot_general3A_280, %add3A_281 : vector<128x256xf32>
    %max3A_283 = arith.constant 0.000000e+00 : f32
    %max3A_284 = vector.broadcast %max3A_283 : f32 to vector<128x256xf32>
    %max3A_285 = arith.maximumf %add3A_282, %max3A_284 : vector<128x256xf32>
    %slice3A_286 = vector.extract_strided_slice %get3A_276 {offsets = [0, 0], sizes = [128, 64], strides = [1, 1]} : vector<128x128xf32> to vector<128x64xf32>
    %concatenate3A_287 = tpu.concatenate %slice3A_286, %slice3A_286, %slice3A_286, %slice3A_286 in 1 : vector<128x64xf32>, vector<128x64xf32>, vector<128x64xf32>, vector<128x64xf32> -> vector<128x256xf32>
    %mul3A_288 = arith.mulf %concatenate3A_287, %max3A_285 : vector<128x256xf32>
    %add3A_289 = arith.addf %add3A_271, %mul3A_288 : vector<128x256xf32>
    %get3A_290 = arith.constant 0 : index
    %get3A_291 = arith.constant 0 : index
    %get3A_292 = vector.load %arg3[%get3A_290, %get3A_291] : memref<128x64xf32, #tpu.memory_space<vmem>>, vector<128x64xf32>
    %concatenate3A_293 = tpu.concatenate %get3A_292, %get3A_292, %get3A_292, %get3A_292 in 1 : vector<128x64xf32>, vector<128x64xf32>, vector<128x64xf32>, vector<128x64xf32> -> vector<128x256xf32>
    %max3A_294 = arith.constant 0.000000e+00 : f32
    %max3A_295 = vector.broadcast %max3A_294 : f32 to vector<1x256xf32>
    %max3A_296 = arith.maximumf %get3A_7, %max3A_295 : vector<1x256xf32>
    %mul3A_297 = vector.broadcast %max3A_296 : vector<1x256xf32> to vector<128x256xf32>
    %mul3A_298 = arith.mulf %concatenate3A_293, %mul3A_297 : vector<128x256xf32>
    %add3A_299 = arith.addf %add3A_289, %mul3A_298 : vector<128x256xf32>
    %get3A_300 = arith.constant 0 : index
    %get3A_301 = arith.constant 0 : index
    %get3A_302 = vector.load %arg6[%get3A_300, %get3A_301] : memref<256x64xf32, #tpu.memory_space<vmem>>, vector<256x64xf32>
    %dot_general3A_303 = arith.constant dense<0.000000e+00> : vector<128x64xf32>
    %dot_general3A_304 = tpu.matmul %add3A_299, %get3A_302, %dot_general3A_303 {dimension_numbers = #tpu.dot_dimension_numbers<[1], [0], [0], [1], [0, 0, 1, 1], [], []>, transpose_lhs_hint = false} : vector<128x256xf32>, vector<256x64xf32>, vector<128x64xf32> -> vector<128x64xf32>
    %get3A_305 = arith.constant 0 : index
    %get3A_306 = arith.constant 0 : index
    %get3A_307 = vector.load %arg7[%get3A_305, %get3A_306] : memref<1x64xf32, #tpu.memory_space<vmem>>, vector<1x64xf32>
    %add3A_308 = vector.broadcast %get3A_307 : vector<1x64xf32> to vector<128x64xf32>
    %add3A_309 = arith.addf %dot_general3A_304, %add3A_308 : vector<128x64xf32>
    %max3A_310 = arith.constant 0.000000e+00 : f32
    %max3A_311 = vector.broadcast %max3A_310 : f32 to vector<128x64xf32>
    %max3A_312 = arith.maximumf %add3A_309, %max3A_311 : vector<128x64xf32>
    %swap3A = arith.constant 0 : index
    %swap3A_313 = arith.constant 0 : index
    %swap3A_314 = vector.load %arg8[%swap3A, %swap3A_313] : memref<128x64xf32, #tpu.memory_space<vmem>>, vector<128x64xf32>
    tpu.vector_store %arg8[%swap3A, %swap3A_313], %max3A_312 {strides = array<i32>} : memref<128x64xf32, #tpu.memory_space<vmem>>, vector<128x64xf32>,
    return
  }
  func.func @transform_0(%arg0: i32) -> (i32, i32, i32) {
    %c0_i32 = arith.constant 0 : i32
    %c0_i32_0 = arith.constant 0 : i32
    %c0_i32_1 = arith.constant 0 : i32
    return %c0_i32, %arg0, %c0_i32_0 : i32, i32, i32
  }
  func.func @transform_1(%arg0: i32) -> (i32, i32) {
    %c0_i32 = arith.constant 0 : i32
    %c0_i32_0 = arith.constant 0 : i32
    return %arg0, %c0_i32 : i32, i32
  }
  func.func @transform_2(%arg0: i32) -> (i32, i32) {
    %c0_i32 = arith.constant 0 : i32
    %c0_i32_0 = arith.constant 0 : i32
    return %arg0, %c0_i32 : i32, i32
  }
  func.func @transform_3(%arg0: i32) -> (i32, i32) {
    %c0_i32 = arith.constant 0 : i32
    %c0_i32_0 = arith.constant 0 : i32
    %c0_i32_1 = arith.constant 0 : i32
    return %c0_i32, %c0_i32_0 : i32, i32
  }
  func.func @transform_4(%arg0: i32) -> (i32, i32) {
    %c0_i32 = arith.constant 0 : i32
    %c0_i32_0 = arith.constant 0 : i32
    %c0_i32_1 = arith.constant 0 : i32
    return %c0_i32, %c0_i32_0 : i32, i32
  }
  func.func @transform_5(%arg0: i32) -> (i32, i32) {
    %c0_i32 = arith.constant 0 : i32
    %c0_i32_0 = arith.constant 0 : i32
    %c0_i32_1 = arith.constant 0 : i32
    return %c0_i32, %c0_i32_0 : i32, i32
  }
  func.func @transform_6(%arg0: i32) -> (i32, i32) {
    %c0_i32 = arith.constant 0 : i32
    %c0_i32_0 = arith.constant 0 : i32
    %c0_i32_1 = arith.constant 0 : i32
    return %c0_i32, %c0_i32_0 : i32, i32
  }
  func.func @transform_7(%arg0: i32) -> (i32, i32) {
    %c0_i32 = arith.constant 0 : i32
    %c0_i32_0 = arith.constant 0 : i32
    return %arg0, %c0_i32 : i32, i32
  }
}

</mosaic_0001>

<sc_bundles>
// kernel: kernel.4.cloned.1.call-start
scs
__scs_entry_jumppad:
0x0: {  	(pc) =	sbr.rel $0x88, $3  }
0x1: {  	(tag) =	ssettag $0x0;
	lr =	simm.s32 $0x1  }
0x2: {  	[smem:$0x3F9A] =	sst lr;
	_ =	strace $0xD0000000  }
0x3: {  	_ = 	snop  }
0x4: {  	_ = 	snop  }
0x5: {  	_ = 	snop  }
0x6: {  	_ = 	snop  }
0x7: {  	_ = 	snop  }
__scs_overlays_trampoline_lowered:
0x8: {  	[smem:$0x3FA9] =	sst s0  }
0x9: {  	[smem:$0x3FAA] =	sst s1  }
0xa: {  	[smem:$0x3FAB] =	sst s2  }
0xb: {  	[smem:$0x3FAC] =	sst s3  }
0xc: {  	[smem:$0x3FAD] =	sst s4  }
0xd: {  	[smem:$0x3FAE] =	sst s5  }
0xe: {  	[smem:$0x3FAF] =	sst s6  }
0xf: {  	[smem:$0x3FB0] =	sst s7  }
0x10: {  	[smem:$0x3FB1] =	sst s8  }
0x11: {  	[smem:$0x3FB2] =	sst s9;
	s0 =	simm.s32 @!p0 $0x0  }
0x12: {  	s1 =	sld [smem:$0x3F98];
	s0 =	simm.s32 @p0 $0x1  }
0x13: {  	[smem:$0x3FB3] =	sst s0;
	s0 =	simm.s32 @!p1 $0x0  }
0x14: {  	s2 =	sld [smem:$0x3F97];
	s0 =	simm.s32 @p1 $0x1  }
0x15: {  	[smem:$0x3FB4] =	sst s0;
	s0 =	simm.s32 @!p2 $0x0  }
0x16: {  	s3 =	sld [smem:$0x3FDB];
	s0 =	simm.s32 @p2 $0x1  }
0x17: {  	s4 =	simm.s32 $0x1BF5;
	[smem:$0x3FB6] =	sst s0  }
0x18: {  	s0 =	sld [smem:$0x3F99];
	_ =	swait.ge [sflag:s4], $0x0  }
0x19: {  	s7 =	sld [smem:$0x3F9A]  }
0x1a: {  	s8 =	sadd.s32 $0xFFFFE003, lr  }
0x1b: {  	s9 =	sadd.s32 $0xFFFFFEF7, lr;
	s5 =	simm.s32 $0xFFFFFFFF;
	p2 =	slt.u32 s8, $0xFFFFF086  }
0x1c: {  	p1 =	slt.u32 s9, $0xF7A;
	s5 =	simm.s32 @!p2 $0x0  }
0x1d: {  	s5 =	simm.s32 @p1 $0x1;
	p0 =	seq.s32 s7, s2  }
0x1e: {  	s7 =	smul.u32 @!p0 $0xF7A, s2;
	p2 =	seq.s32 @!p0 s5, $0x0  }
0x1f: {  	s9 =	smul.u32 $0xF7A, s1;
	s8 =	simm.s32 @!p0 $0x1BF5;
	p2 =	por !p2, p0  }
0x20: {  	[sflag:s8] =	ssyncset.s32 @!p0 $0xFFFFF086;
	s6 =	sadd.s32 @!p0 s3, s7;
	s7 =	simm.s32 @!p0 $0x108  }
0x21: {  	s3 =	sadd.s32 s3, s9;
	s6 =	sadd.s32 @!p0 $0x88, s6;
	s7 =	simm.s32 @p2 $0x1082  }
0x22: {  	[simem:s7], [sflag:s8] =	dma.local @!p0 [hbm:s6], $0xF7A  }
0x23: {  	s9 =	sor.u32 $0xD0000000, s2;
	s6 =	simm.s32 $0x108;
	_ =	swait.ge @!p0 [sflag:s8], $0x0  }
0x24: {  	s3 =	sadd.s32 $0x88, s3;
	s6 =	simm.s32 @!p1 $0x1082;
	[sflag:s4] =	ssyncset.s32 $0xFFFFF086  }
0x25: {  	[simem:s6], [sflag:s4] =	dma.local [hbm:s3], $0xF7A  }
0x26: {  	[smem:$0x3F9A] =	sst s1;
	(tag) =	ssettag s2;
	_ =	strace s9  }
0x27: {  	s1 =	sld [smem:$0x3FAA]  }
0x28: {  	s2 =	sld [smem:$0x3FAB]  }
0x29: {  	s4 =	sld [smem:$0x3FAD]  }
0x2a: {  	p0 =	seq.s32 s5, $0x0;
	s5 =	sld [smem:$0x3FAE]  }
0x2b: {  	s6 =	sld [smem:$0x3FAF]  }
0x2c: {  	s7 =	sld [smem:$0x3FB0]  }
0x2d: {  	s3 =	simm.s32 $0x108;
	s8 =	sld [smem:$0x3FB1]  }
0x2e: {  	s3 =	simm.s32 @!p0 $0x1082;
	s9 =	sld [smem:$0x3FB2]  }
0x2f: {  	lr =	sadd.s32 s0, s3;
	s0 =	sld [smem:$0x3FA9]  }
0x30: {  	s3 =	sld [smem:$0x3FAC]  }
0x31: {  	[smem:$0x3FB5] =	sst s10  }
0x32: {  	s10 =	sld [smem:$0x3FB3];
	_ =	sdelay $0x3  }
0x33: {  	p0 =	seq.s32 s10, $0x1;
	s10 =	sld [smem:$0x3FB5];
	_ =	sdelay $0x3  }
0x34: {  	[smem:$0x3FB5] =	sst s10  }
0x35: {  	s10 =	sld [smem:$0x3FB4];
	_ =	sdelay $0x3  }
0x36: {  	p1 =	seq.s32 s10, $0x1;
	s10 =	sld [smem:$0x3FB5];
	_ =	sdelay $0x3  }
0x37: {  	[smem:$0x3FB5] =	sst s10  }
0x38: {  	s10 =	sld [smem:$0x3FB6]  }
0x39: {  	_ = 	snop;
	(pc) =	sbr.ind lr, $3  }
0x3a: {  	_ = 	snop  }
0x3b: {  	_ = 	snop  }
0x3c: {  	p2 =	seq.s32 s10, $0x1;
	s10 =	sld [smem:$0x3FB5]  }
0x3d: {  	_ =	shalt  }
0x3e: {  	_ =	shalt  }
0x3f: {  	_ =	shalt  }
0x40: {  	_ =	shalt  }
0x41: {  	_ =	shalt  }
0x42: {  	_ =	shalt  }
0x43: {  	_ =	shalt  }
0x44: {  	_ =	shalt  }
0x45: {  	_ =	shalt  }
0x46: {  	_ =	shalt  }
0x47: {  	_ =	shalt  }
0x48: {  	_ =	shalt  }
0x49: {  	_ =	shalt  }
0x4a: {  	_ =	shalt  }
0x4b: {  	_ =	shalt  }
0x4c: {  	_ =	shalt  }
0x4d: {  	_ =	shalt  }
0x4e: {  	_ =	shalt  }
0x4f: {  	_ =	shalt  }
0x50: {  	_ =	shalt  }
0x51: {  	_ =	shalt  }
0x52: {  	_ =	shalt  }
0x53: {  	_ =	shalt  }
0x54: {  	_ =	shalt  }
0x55: {  	_ =	shalt  }
0x56: {  	_ =	shalt  }
0x57: {  	_ =	shalt  }
0x58: {  	_ =	shalt  }
0x59: {  	_ =	shalt  }
0x5a: {  	_ =	shalt  }
0x5b: {  	_ =	shalt  }
0x5c: {  	_ =	shalt  }
0x5d: {  	_ =	shalt  }
0x5e: {  	_ =	shalt  }
0x5f: {  	_ =	shalt  }
0x60: {  	_ =	shalt  }
0x61: {  	_ =	shalt  }
0x62: {  	_ =	shalt  }
0x63: {  	_ =	shalt  }
0x64: {  	_ =	shalt  }
0x65: {  	_ =	shalt  }
0x66: {  	_ =	shalt  }
0x67: {  	_ =	shalt  }
0x68: {  	_ =	shalt  }
0x69: {  	_ =	shalt  }
0x6a: {  	_ =	shalt  }
0x6b: {  	_ =	shalt  }
0x6c: {  	_ =	shalt  }
0x6d: {  	_ =	shalt  }
0x6e: {  	_ =	shalt  }
0x6f: {  	_ =	shalt  }
0x70: {  	_ =	shalt  }
0x71: {  	_ =	shalt  }
0x72: {  	_ =	shalt  }
0x73: {  	_ =	shalt  }
0x74: {  	_ =	shalt  }
0x75: {  	_ =	shalt  }
0x76: {  	_ =	shalt  }
0x77: {  	_ =	shalt  }
0x78: {  	_ =	shalt  }
0x79: {  	_ =	shalt  }
0x7a: {  	_ =	shalt  }
0x7b: {  	_ =	shalt  }
0x7c: {  	_ =	shalt  }
0x7d: {  	_ =	shalt  }
0x7e: {  	_ =	shalt  }
0x7f: {  	_ =	shalt  }
0x80: {  	_ =	shalt  }
0x81: {  	_ =	shalt  }
0x82: {  	_ =	shalt  }
0x83: {  	_ =	shalt  }
0x84: {  	_ =	shalt  }
0x85: {  	_ =	shalt  }
0x86: {  	_ =	shalt  }
0x87: {  	_ =	shalt  }
.Lfunc_end0:
.L_simem_size_0:
called_computation_lowered:
.L_overlay_start_0:
0x88: {  	s2 =	sld [smem:$0x3FD9]  }
0x89: {  	s3 =	sld [smem:$0x3FFE];
	_ =	sdelay $0x1  }
0x8a: {  	s1 =	srdreg.scid  }
0x8b: {  	s0 =	sand.u32 $0x1, s1  }
0x8c: {  	s17 =	sshll.u32 s0, $0xA;
	s2 =	sadd.s32 s3, s2  }
0x8d: {  	s2 =	sadd.s32 s2, s17  }
0x8e: {  	[smem:$0x3FC1] =	sst s2  }
0x8f: {  	_ = 	snop  }
0x90: {  	s2 =	sld [smem:$0x3FD0];
	(tm) =	ssettm $0x1  }
0x91: {  	s18 =	sld [smem:$0x3FFB];
	_ =	sdelay $0x3  }
0x92: {  	_ =	strace s18  }
0x93: {  	s3 =	sld [smem:$0x3FFC];
	_ =	sdelay $0x3  }
0x94: {  	_ =	strace s3  }
0x95: {  	s3 =	sld [smem:$0x3FFD];
	_ =	sdelay $0x3  }
0x96: {  	_ =	strace s3  }
0x97: {  	_ =	strace $0x8FFFFFFF  }
0x98: {  	s19 =	sld [smem:$0x3FDB];
	_ =	sdelay $0x1  }
0x99: {  	s4 =	simm.s32 $_scs_section_size  }
0x9a: {  	s5 =	simm.s32 $_size__tile_overlayer_lowered;
	s6 =	simm.s32 $_tile_overlayer_lowered  }
0x9b: {  	s22 =	simm.s32 $0x1BFF;
	s21 =	sshll.u32 s6, $0x1;
	s3 =	sadd.s32 s4, s19  }
0x9c: {  	s7 =	simm.s32 $0x0;
	s20 =	sshll.u32 s5, $0x1;
	s5 =	sadd.s32 s21, s3  }
0x9d: {  	[timem:s7], [sflag:s22] =	dma.local [hbm:s5], s20  }
0x9e: {  	_ =	swait.ge [sflag:s22], s20  }
0x9f: {  	s4 =	ssub.s32 $0x0, s20;
	[sflag:s22] =	ssyncset.done $0x0  }
0xa0: {  	[sflag:s22] =	ssyncadd.s32 s4;
	_ =	sdelay $0x1  }
0xa1: {  	s23 =	simm.s32 $0x1B8B  }
0xa2: {  	_ =	swait.ge [sflag:s23], $0x1  }
0xa3: {  	[sflag:s23] =	ssyncset.done $0x0  }
0xa4: {  	s25 =	simm.s32 $0x1B8E;
	s24 =	sld [smem:$0x3FFE];
	[sflag:s23] =	ssyncadd.s32 $0xFFFFFFFF  }
0xa5: {  	s26 =	simm.s32 $execute0_lowered;
	[smem:$0x3FD2] =	sst s25  }
0xa6: {  	s5 =	sshll.u32 s26, $0x1;
	_ =	strace $0x80000046;
	[dreg:$0x1] =	wrdreg $0xFFFFFFFF  }
0xa7: {  	s28 =	simm.s32 $_size_execute0_lowered;
	s3 =	sadd.s32 s3, s5;
	[dreg:$0x0] =	wrdreg $0x0  }
0xa8: {  	s5 =	sshll.u32 s28, $0x1;
	[dreg:$0x2] =	wrdreg s3  }
0xa9: {  	[dreg:$0x3] =	wrdreg s5  }
0xaa: {  	[dreg:$0x4] =	wrdreg $0xC0  }
0xab: {  	_ =	task [dreg:s7], $0x5FFFF  }
0xac: {  	[dreg:$0x1] =	wrdreg $0xFFFFFFFF  }
0xad: {  	[dreg:$0x0] =	wrdreg $0x60  }
0xae: {  	[dreg:$0x2] =	wrdreg s2  }
0xaf: {  	[dreg:$0x3] =	wrdreg s24  }
0xb0: {  	[dreg:$0x4] =	wrdreg $0x9  }
0xb1: {  	_ =	task.clear_ibuf [dreg:s7], $0x5FFFF;
	_ =	strace $0x90000046  }
0xb2: {  	s29 =	simm.s32 $0x9;
	_ =	strace $0x80000048  }
0xb3: {  	_ =	swait.ge [sflag:s29], $0x1  }
0xb4: {  	[sflag:s29] =	ssyncadd.s32 $0xFFFFFFFF  }
0xb5: {  	_ =	strace $0x90000048  }
0xb6: {  	_ =	sfence  }
0xb7: {  	s30 =	sld [smem:$0x0];
	_ =	sdelay $0x2  }
0xb8: {  	s31 =	sshll.u32 s1, $0xD;
	s1 =	sshrl.u32 s1, $0x2  }
0xb9: {  	s3 =	sand.u32 $0x4000, s31;
	s1 =	sadd.s32 s1, s30  }
0xba: {  	s0 =	sor.u32 s3, s0;
	s1 =	sshll.u32 s1, $0x11  }
0xbb: {  	s0 =	sor.u32 s1, s0  }
0xbc: {  	s0 =	sadd.s32 $0x8F2B, s0  }
0xbd: {  	[sflag:s0] =	ssyncadd.remote.s32 $0x1  }
0xbe: {  	_ =	sfence.sel $0xFFFF  }
0xbf: {  	[dreg:$0x0] =	wrdreg $0xFFFFFFFF;
	(pc) =	sbr.abs _section_cstart, $3  }
0xc0: {  	[dreg:$0x1] =	wrdreg $0xFFFFFFFF  }
0xc1: {  	_ =	task.clear_ibuf [dreg:s7], $0x2FFFF;
	_ =	strace $0x9FFFFFFF  }
0xc2: {  	(tm) =	ssettm $0x7FFFFFFF  }
0xc3: {  	_ =	shalt  }
tec
execute0_lowered:
.L_overlay_start_1:
0x0: {  	(tag) =	ssettag $0x1  }
0x1: {  	s4 =	rddreg [dreg:$0x0]  }
0x2: {  	s5 =	rddreg [dreg:$0x1]  }
0x3: {  	s0 =	rddreg [dreg:$0x2];
	s2 =	simm.s32 $0x0  }
0x4: {  	s1 =	srdreg.scid;
	p0 =	por $0x0, $0x0;
	[smem:$0x7FF] =	sst s2  }
0x5: {  	s6 =	sand.u32 $0x1, s1;
	s1 =	stileid.u32;
	s3 =	sadd.s32 $0xE00, s5  }
0x6: {  	_ =	strace $0x80000047;
	s7 =	sshll.u32 s1, $0xA;
	s8 =	sshll.u32 s6, $0x9  }
0x7: {  	s9 =	sshll.u32 s6, $0xD;
	s6 =	ssub.s32 $0x2, s6;
	s7 =	sor.u32 s8, s7  }
0x8: {  	s5 =	sadd.s32 s9, s5;
	s26 =	sshrl.u32 s6, $0x1;
	s28 =	sor.u32 $0x10, s8  }
0x9: {  	s29 =	sor.u32 $0x20, s8;
	s30 =	sor.u32 $0x30, s8;
	s10 =	sor.u32 $0x40, s8  }
0xa: {  	s11 =	sor.u32 $0x50, s8;
	s12 =	sor.u32 $0x60, s8;
	s13 =	sor.u32 $0x70, s8  }
0xb: {  	s14 =	sor.u32 $0x80, s8;
	s15 =	sor.u32 $0x90, s8;
	s17 =	sor.u32 $0xA0, s8  }
0xc: {  	s18 =	sor.u32 $0xB0, s8;
	s19 =	sor.u32 $0xC0, s8;
	s20 =	sor.u32 $0xD0, s8  }
0xd: {  	s21 =	sor.u32 $0xE0, s8;
	s22 =	sor.u32 $0xF0, s8;
	s23 =	sor.u32 $0x100, s8  }
0xe: {  	v28 =	vlaneseq.u32;
	s31 =	sor.u32 $0x110, s8;
	s24 =	sor.u32 $0x120, s8;
	s25 =	sor.u32 $0x130, s8  }
0xf: {  	s9 =	sor.u32 $0x140, s8;
	v2 =	vor.u32 s8, v28;
	s7 =	sshrl.u32 s7, $0x3;
	s6 =	ssub.s32 s6, s26;
	v0 =	vor.u32 s28, v28  }
0x10: {  	v16 =	vor.u32 s10, v28;
	v17 =	vor.u32 s11, v28;
	s10 =	sor.u32 $0x150, s8;
	s11 =	sor.u32 $0x160, s8;
	v8 =	vor.u32 s12, v28;
	s12 =	sor.u32 $0x170, s8  }
0x11: {  	v13 =	vor.u32 s13, v28;
	v15 =	vor.u32 s14, v28;
	s13 =	sor.u32 $0x180, s8;
	s14 =	sor.u32 $0x190, s8;
	v5 =	vor.u32 s15, v28;
	s15 =	sor.u32 $0x1A0, s8  }
0x12: {  	v12 =	vor.u32 s29, v28;
	v14 =	vor.u32 s17, v28;
	v11 =	vor.u32 s18, v28;
	s17 =	sor.u32 $0x1B0, s8;
	s18 =	sshll.u32 s1, $0xE;
	s26 =	sor.u32 $0x1C0, s8  }
0x13: {  	v9 =	vor.u32 s30, v28;
	v3 =	vor.u32 s19, v28;
	s28 =	sor.u32 $0x1D0, s8;
	s29 =	sor.u32 $0x1E0, s8;
	v1 =	vor.u32 s31, v28;
	s31 =	smax.u32 s6, $0x1  }
0x14: {  	v10 =	vor.u32 s20, v28;
	v20 =	vor.u32 s21, v28;
	v4 =	vor.u32 s22, v28;
	s30 =	sor.u32 $0x1F0, s8;
	s8 =	simm.s32 $0x200;
	p1 =	sne.s32 s31, $0x1  }
.Ltmp0:
0x15: {  	v6 =	vor.u32 s23, v28;
	v23 =	vor.u32 s24, v28;
	v29 =	vor.u32 s9, v28;
	s9 =	simm.s32 $0x280;
	s16 =	sadd.s32 s4, s7;
	(pc) =	sbr.rel @!p1 .LBB2_3-.Ltmp0, $4  }
0x16: {  	v27 =	vor.u32 s25, v28;
	s4 =	sadd.s32 s18, s5;
	s5 =	simm.s32 $0x2;
	s7 =	simm.s32 $0x80;
	v31 =	vor.u32 s10, v28;
	v7 =	vor.u32 s11, v28  }
0x17: {  	s6 =	simm.s32 $0x400;
	v30 =	vor.u32 s12, v28;
	v26 =	vor.u32 s13, v28;
	v25 =	vor.u32 s14, v28;
	s11 =	simm.s32 $0x4400;
	s12 =	simm.s32 $0x300  }
0x18: {  	s13 =	simm.s32 $0x8400;
	v21 =	vor.u32 s15, v28;
	v19 =	vor.u32 s17, v28;
	v24 =	vor.u32 s26, v28;
	s14 =	simm.s32 $0x380;
	s15 =	simm.s32 $0xC400  }
0x19: {  	v22 =	vor.u32 s28, v28;
	v18 =	vor.u32 s29, v28;
	v28 =	vor.u32 s30, v28;
	s10 =	simm.s32 $0x1;
	s4 =	sadd.s32 $0x5000, s4;
	s17 =	sadd.s32 $0xFFFFFFFF, s31  }
0x1a: {  	[tilespmem:s2], [sflag:$0x2] =	stream.linear.gather [hbm4b:s16+s2], $0x200, $0x38;
	[tilespmem:$0x10400] =	vst v63  }
0x1b: {  	_ =	swait.ge [sflag:s5], $0x200  }
0x1c: {  	[sflag:s5] =	ssyncset.done $0x0  }
0x1d: {  	[sflag:s5] =	ssyncadd.s32 $0xFFFFFE00  }
0x1e: {  	v32 =	vld [tilespmem:$0x150]  }
0x1f: {  	v33 =	vld [tilespmem:$0x140]  }
0x20: {  	v34 =	vld [tilespmem:$0x170]  }
0x21: {  	v35 =	vld [tilespmem:$0x130]  }
0x22: {  	v36 =	vld [tilespmem:$0xE0]  }
0x23: {  	v37 =	vld [tilespmem:$0x120];
	vm0 =	veq.s32 v32, v31  }
0x24: {  	v38 =	vld [tilespmem:$0x180];
	vm1 =	veq.s32 v33, v29;
	v32 =	vsel vm0, $0x400, v32  }
0x25: {  	v54 =	vld [tilespmem:$0x1F0];
	vm10 =	veq.s32 v34, v30;
	v33 =	vsel vm1, $0x400, v33;
	[tilespmem:$0x350] =	vst v32  }
0x26: {  	v57 =	vld [tilespmem:$0x1D0];
	vm11 =	veq.s32 v35, v27;
	v53 =	vsel vm10, $0x400, v34;
	[tilespmem:$0x340] =	vst v33  }
0x27: {  	v59 =	vld [tilespmem:$0x1B0];
	vm12 =	veq.s32 v36, v20;
	v35 =	vsel vm11, $0x400, v35;
	[tilespmem:$0x370] =	vst v53  }
0x28: {  	v39 =	vld [tilespmem:$0x50];
	vm13 =	veq.s32 v37, v23;
	v36 =	vsel vm12, $0x400, v36;
	[tilespmem:$0x330] =	vst v35  }
0x29: {  	v52 =	vld [tilespmem:$0x190];
	vm14 =	veq.s32 v38, v26;
	v37 =	vsel vm13, $0x400, v37;
	[tilespmem:$0x2E0] =	vst v36  }
0x2a: {  	v55 =	vld [tilespmem:$0x1C0];
	vm4 =	veq.s32 v54, v28;
	v58 =	vsel vm14, $0x400, v38;
	[tilespmem:$0x320] =	vst v37  }
0x2b: {  	v56 =	vld [tilespmem:$0x1A0];
	vm7 =	veq.s32 v57, v22;
	v61 =	vsel vm4, $0x400, v54;
	[tilespmem:$0x380] =	vst v58  }
0x2c: {  	v60 =	vld [tilespmem:$0x40];
	vm8 =	veq.s32 v59, v19;
	v43 =	vsel vm7, $0x400, v57;
	[tilespmem:$0x3F0] =	vst v61  }
0x2d: {  	v62 =	vld [tilespmem:$0x20];
	vm9 =	veq.s32 v39, v17;
	v38 =	vsel vm8, $0x400, v59;
	[tilespmem:$0x3D0] =	vst v43  }
0x2e: {  	v44 =	vld [tilespmem:$0xA0];
	vm15 =	veq.s32 v52, v25;
	v39 =	vsel vm9, $0x400, v39;
	[tilespmem:$0x3B0] =	vst v38  }
0x2f: {  	v46 =	vld [tilespmem:$0xB0];
	vm5 =	veq.s32 v55, v24;
	v32 =	vsel vm15, $0x400, v52;
	[tilespmem:$0x250] =	vst v39  }
0x30: {  	v51 =	vld [tilespmem:$0x10];
	vm6 =	veq.s32 v56, v21;
	v33 =	vsel vm5, $0x400, v55;
	[tilespmem:$0x390] =	vst v32  }
0x31: {  	v63 =	vld [tilespmem:$0x80];
	vm10 =	veq.s32 v60, v16;
	v35 =	vsel vm6, $0x400, v56;
	[tilespmem:$0x3C0] =	vst v33  }
0x32: {  	v42 =	vld [tilespmem:$0x70];
	vm11 =	veq.s32 v62, v12;
	v37 =	vsel vm10, $0x400, v60;
	[tilespmem:$0x3A0] =	vst v35  }
0x33: {  	v45 =	vld [tilespmem:$0x30];
	vm14 =	veq.s32 v44, v14;
	v34 =	vsel vm11, $0x400, v62;
	[tilespmem:$0x240] =	vst v37  }
0x34: {  	v47 =	vld [tilespmem:$0x60];
	vm4 =	veq.s32 v46, v11;
	v36 =	vsel vm14, $0x400, v44;
	[tilespmem:$0x220] =	vst v34  }
0x35: {  	v48 =	vld [tilespmem:$0x1E0];
	vm9 =	veq.s32 v51, v0;
	v52 =	vsel vm4, $0x400, v46;
	[tilespmem:$0x2A0] =	vst v36  }
0x36: {  	v49 =	vld [tilespmem:$0xD0];
	vm12 =	veq.s32 v63, v15;
	v58 =	vsel vm9, $0x400, v51;
	[tilespmem:$0x2B0] =	vst v52  }
0x37: {  	v50 =	vld [tilespmem:$0x90];
	vm13 =	veq.s32 v42, v13;
	v32 =	vsel vm12, $0x400, v63;
	[tilespmem:$0x210] =	vst v58  }
0x38: {  	v54 =	vld [tilespmem:$0x100];
	vm15 =	veq.s32 v45, v9;
	v33 =	vsel vm13, $0x400, v42;
	[tilespmem:$0x280] =	vst v32  }
0x39: {  	v57 =	vld [tilespmem:$0x160];
	vm5 =	veq.s32 v47, v8;
	v35 =	vsel vm15, $0x400, v45;
	[tilespmem:$0x270] =	vst v33  }
0x3a: {  	v59 =	vld [tilespmem:$0x110];
	vm6 =	veq.s32 v48, v18;
	v37 =	vsel vm5, $0x400, v47;
	[tilespmem:$0x230] =	vst v35  }
0x3b: {  	vm7 =	veq.s32 v49, v10;
	v53 =	vld [tilespmem:$0xC0];
	v34 =	vsel vm6, $0x400, v48;
	[tilespmem:$0x260] =	vst v37  }
0x3c: {  	vm8 =	veq.s32 v50, v5;
	v55 =	vld [tilespmem:$0xF0];
	v32 =	vsel vm7, $0x400, v49;
	[tilespmem:$0x3E0] =	vst v34  }
0x3d: {  	v56 =	vld [tilespmem:$0x0];
	v33 =	vsel vm8, $0x400, v50;
	[tilespmem:$0x2D0] =	vst v32;
	vm11 =	veq.s32 v54, v6  }
0x3e: {  	[tilespmem:$0x290] =	vst v33;
	vm14 =	veq.s32 v57, v7;
	v61 =	vsel vm11, $0x400, v54  }
0x3f: {  	vm15 =	veq.s32 v59, v1;
	v32 =	vsel vm14, $0x400, v57;
	[tilespmem:$0x300] =	vst v61  }
0x40: {  	p1 =	sne.s32 s17, $0x1;
	vm10 =	veq.s32 v53, v3;
	v33 =	vsel vm15, $0x400, v59;
	[tilespmem:$0x360] =	vst v32  }
.Ltmp1:
0x41: {  	vm12 =	veq.s32 v55, v4;
	v60 =	vsel vm10, $0x400, v53;
	[tilespmem:$0x310] =	vst v33;
	(pc) =	sbr.rel @!p1 .LBB2_3-.Ltmp1, $4  }
0x42: {  	vm13 =	veq.s32 v56, v2;
	v62 =	vsel vm12, $0x400, v55;
	[tilespmem:$0x2C0] =	vst v60  }
0x43: {  	v63 =	vsel vm13, $0x400, v56;
	[tilespmem:$0x2F0] =	vst v62  }
0x44: {  	s17 =	sadd.s32 $0xFFFFFFFF, s17;
	p0 =	por $0x1, $0x1;
	[tilespmem:$0x200] =	vst v63  }
0x45: {  	[tilespmem:s6], [sflag:$0x1] =	stream.indirect.gather [hbm4b:s3+s7], $0x80, s8, s7, $0xb8;
	[tilespmem:$0x10400] =	vst v63  }
.LBB2_2:
0x46: {  	[tilespmem:s11], [sflag:$0x1] =	stream.indirect.gather [hbm4b:s3+s7], $0x80, s9, s7, $0xb8;
	[tilespmem:$0x10400] =	vst v63  }
0x47: {  	p1 =	sne.s32 s17, $0x1;
	s17 =	sadd.s32 $0xFFFFFFFF, s17  }
0x48: {  	[tilespmem:s13], [sflag:$0x1] =	stream.indirect.gather [hbm4b:s3+s7], $0x80, s12, s7, $0xb8;
	[tilespmem:$0x10400] =	vst v63  }
0x49: {  	_ = 	snop  }
0x4a: {  	[tilespmem:s15], [sflag:$0x1] =	stream.indirect.gather [hbm4b:s3+s7], $0x80, s14, s7, $0xb8;
	[tilespmem:$0x10400] =	vst v63  }
0x4b: {  	_ =	swait.ge [sflag:s10], $0x4000  }
0x4c: {  	[sflag:s10] =	ssyncset.done $0x0  }
0x4d: {  	[sflag:s10] =	ssyncadd.s32 $0xFFFFC000  }
0x4e: {  	_ =	swait.ge [sflag:s10], $0x4000  }
0x4f: {  	[sflag:s10] =	ssyncset.done $0x0  }
0x50: {  	[sflag:s10] =	ssyncadd.s32 $0xFFFFC000  }
0x51: {  	_ =	swait.ge [sflag:s10], $0x4000  }
0x52: {  	[sflag:s10] =	ssyncset.done $0x0  }
0x53: {  	[sflag:s10] =	ssyncadd.s32 $0xFFFFC000  }
0x54: {  	_ =	swait.ge [sflag:s10], $0x4000  }
0x55: {  	[sflag:s10] =	ssyncset.done $0x0  }
0x56: {  	[sflag:s10] =	ssyncadd.s32 $0xFFFFC000  }
0x57: {  	[hbm4b:s4+s2] =	stream.linear.scatter [tilespmem:s6], [sflag:$0x2], $0x10000, $0x38;
	[tilespmem:$0x10400] =	vst v63  }
0x58: {  	_ =	swait.ge [sflag:s5], $0x10000  }
0x59: {  	[sflag:s5] =	ssyncset.done $0x0  }
0x5a: {  	[sflag:s5] =	ssyncadd.s32 $0xFFFF0000  }
0x5b: {  	[tilespmem:s2], [sflag:$0x2] =	stream.linear.gather [hbm4b:s16+s2], $0x200, $0x38;
	[tilespmem:$0x10400] =	vst v63  }
0x5c: {  	_ =	swait.ge [sflag:s5], $0x200  }
0x5d: {  	[sflag:s5] =	ssyncset.done $0x0  }
0x5e: {  	[sflag:s5] =	ssyncadd.s32 $0xFFFFFE00  }
0x5f: {  	v32 =	vld [tilespmem:$0x150]  }
0x60: {  	v33 =	vld [tilespmem:$0xE0]  }
0x61: {  	v34 =	vld [tilespmem:$0x140]  }
0x62: {  	v35 =	vld [tilespmem:$0x130]  }
0x63: {  	v36 =	vld [tilespmem:$0x170]  }
0x64: {  	v37 =	vld [tilespmem:$0x120]  }
0x65: {  	vm1 =	veq.s32 v32, v31;
	vm0 =	veq.s32 v33, v20  }
0x66: {  	v32 =	vsel vm1, $0x400, v32;
	v33 =	vsel vm0, $0x400, v33;
	vm0 =	veq.s32 v34, v29  }
0x67: {  	vm1 =	veq.s32 v35, v27;
	v34 =	vsel vm0, $0x400, v34;
	[tilespmem:$0x350] =	vst v32;
	v32 =	vld [tilespmem:$0x180]  }
0x68: {  	v35 =	vsel vm1, $0x400, v35;
	vm0 =	veq.s32 v36, v30;
	v38 =	vld [tilespmem:$0x190]  }
0x69: {  	vm1 =	veq.s32 v37, v23;
	[tilespmem:$0x340] =	vst v34;
	v34 =	vsel vm0, $0x400, v36;
	v36 =	vld [tilespmem:$0x1F0]  }
0x6a: {  	v37 =	vsel vm1, $0x400, v37;
	[tilespmem:$0x370] =	vst v34;
	v34 =	vld [tilespmem:$0x1C0]  }
0x6b: {  	[tilespmem:$0x330] =	vst v35;
	v35 =	vld [tilespmem:$0x1A0]  }
0x6c: {  	[tilespmem:$0x2E0] =	vst v33;
	vm0 =	veq.s32 v32, v26;
	v33 =	vld [tilespmem:$0x1D0]  }
0x6d: {  	[tilespmem:$0x320] =	vst v37;
	v32 =	vsel vm0, $0x400, v32;
	vm0 =	veq.s32 v38, v25;
	v37 =	vld [tilespmem:$0x1B0]  }
0x6e: {  	v39 =	vld [tilespmem:$0x50];
	[tilespmem:$0x380] =	vst v32;
	v32 =	vsel vm0, $0x400, v38;
	vm0 =	veq.s32 v36, v28  }
0x6f: {  	v38 =	vld [tilespmem:$0x40];
	[tilespmem:$0x390] =	vst v32;
	vm1 =	veq.s32 v34, v24;
	v32 =	vsel vm0, $0x400, v36  }
0x70: {  	v36 =	vld [tilespmem:$0x20];
	vm0 =	veq.s32 v35, v21;
	v34 =	vsel vm1, $0x400, v34;
	[tilespmem:$0x3F0] =	vst v32  }
0x71: {  	v32 =	vld [tilespmem:$0x80];
	v35 =	vsel vm0, $0x400, v35;
	[tilespmem:$0x3C0] =	vst v34;
	vm0 =	veq.s32 v33, v22  }
0x72: {  	v34 =	vld [tilespmem:$0x70];
	[tilespmem:$0x3A0] =	vst v35;
	vm1 =	veq.s32 v37, v19;
	v33 =	vsel vm0, $0x400, v33  }
0x73: {  	vm0 =	veq.s32 v39, v17;
	v35 =	vld [tilespmem:$0xA0];
	v37 =	vsel vm1, $0x400, v37;
	[tilespmem:$0x3D0] =	vst v33  }
0x74: {  	v33 =	vld [tilespmem:$0x30];
	vm1 =	veq.s32 v38, v16;
	v39 =	vsel vm0, $0x400, v39;
	[tilespmem:$0x3B0] =	vst v37  }
0x75: {  	vm0 =	veq.s32 v36, v12;
	v37 =	vsel vm1, $0x400, v38;
	[tilespmem:$0x250] =	vst v39;
	v38 =	vld [tilespmem:$0xB0]  }
0x76: {  	v36 =	vsel vm0, $0x400, v36;
	[tilespmem:$0x240] =	vst v37;
	v37 =	vld [tilespmem:$0x60];
	vm0 =	veq.s32 v32, v15  }
0x77: {  	[tilespmem:$0x220] =	vst v36;
	vm1 =	veq.s32 v34, v13;
	v32 =	vsel vm0, $0x400, v32;
	v36 =	vld [tilespmem:$0x1E0]  }
0x78: {  	v34 =	vsel vm1, $0x400, v34;
	[tilespmem:$0x280] =	vst v32;
	vm0 =	veq.s32 v35, v14;
	v32 =	vld [tilespmem:$0xD0]  }
0x79: {  	vm1 =	veq.s32 v33, v9;
	[tilespmem:$0x270] =	vst v34;
	v34 =	vld [tilespmem:$0x90];
	v35 =	vsel vm0, $0x400, v35  }
0x7a: {  	v39 =	vld [tilespmem:$0x10];
	v33 =	vsel vm1, $0x400, v33;
	[tilespmem:$0x2A0] =	vst v35;
	vm0 =	veq.s32 v38, v11  }
0x7b: {  	[tilespmem:$0x230] =	vst v33;
	vm1 =	veq.s32 v37, v8;
	v33 =	vsel vm0, $0x400, v38;
	v35 =	vld [tilespmem:$0xC0]  }
0x7c: {  	v37 =	vsel vm1, $0x400, v37;
	[tilespmem:$0x2B0] =	vst v33;
	v33 =	vld [tilespmem:$0x100];
	vm0 =	veq.s32 v36, v18  }
0x7d: {  	[tilespmem:$0x260] =	vst v37;
	vm1 =	veq.s32 v32, v10;
	v37 =	vld [tilespmem:$0xF0];
	v36 =	vsel vm0, $0x400, v36  }
0x7e: {  	v38 =	vld [tilespmem:$0x0];
	vm0 =	veq.s32 v34, v5;
	v32 =	vsel vm1, $0x400, v32;
	[tilespmem:$0x3E0] =	vst v36  }
0x7f: {  	vm1 =	veq.s32 v39, v0;
	v34 =	vsel vm0, $0x400, v34;
	[tilespmem:$0x2D0] =	vst v32;
	v32 =	vld [tilespmem:$0x160]  }
0x80: {  	v36 =	vsel vm1, $0x400, v39;
	[tilespmem:$0x290] =	vst v34;
	vm0 =	veq.s32 v35, v3;
	v34 =	vld [tilespmem:$0x110]  }
0x81: {  	[tilespmem:$0x210] =	vst v36;
	v35 =	vsel vm0, $0x400, v35;
	vm0 =	veq.s32 v33, v6  }
0x82: {  	[tilespmem:$0x2C0] =	vst v35;
	vm1 =	veq.s32 v37, v4;
	v33 =	vsel vm0, $0x400, v33  }
0x83: {  	vm0 =	veq.s32 v38, v2;
	v35 =	vsel vm1, $0x400, v37;
	[tilespmem:$0x300] =	vst v33  }
.Ltmp2:
0x84: {  	v33 =	vsel vm0, $0x400, v38;
	[tilespmem:$0x2F0] =	vst v35;
	vm0 =	veq.s32 v32, v7;
	(pc) =	sbr.rel @p1 .LBB2_2-.Ltmp2, $4  }
0x85: {  	[tilespmem:$0x200] =	vst v33;
	vm1 =	veq.s32 v34, v1;
	v32 =	vsel vm0, $0x400, v32  }
0x86: {  	v33 =	vsel vm1, $0x400, v34;
	[tilespmem:$0x360] =	vst v32  }
0x87: {  	[tilespmem:$0x310] =	vst v33  }
0x88: {  	[tilespmem:s6], [sflag:$0x1] =	stream.indirect.gather [hbm4b:s3+s7], $0x80, s8, s7, $0xb8;
	[tilespmem:$0x10400] =	vst v63  }
.LBB2_3:
0x89: {  	[tilespmem:s11], [sflag:$0x1] =	stream.indirect.gather @p0 [hbm4b:s3+s7], $0x80, s9, s7, $0xb8;
	[tilespmem:$0x10400] =	vst v63  }
0x8a: {  	_ = 	snop  }
0x8b: {  	[tilespmem:s13], [sflag:$0x1] =	stream.indirect.gather @p0 [hbm4b:s3+s7], $0x80, s12, s7, $0xb8;
	[tilespmem:$0x10400] =	vst v63  }
0x8c: {  	_ = 	snop  }
0x8d: {  	[tilespmem:s15], [sflag:$0x1] =	stream.indirect.gather @p0 [hbm4b:s3+s7], $0x80, s14, s7, $0xb8;
	[tilespmem:$0x10400] =	vst v63  }
0x8e: {  	_ =	swait.ge @p0 [sflag:s10], $0x4000  }
0x8f: {  	[sflag:s10] =	ssyncset.done @p0 $0x0  }
0x90: {  	[sflag:s10] =	ssyncadd.s32 @p0 $0xFFFFC000  }
0x91: {  	_ =	swait.ge @p0 [sflag:s10], $0x4000  }
0x92: {  	[sflag:s10] =	ssyncset.done @p0 $0x0  }
0x93: {  	[sflag:s10] =	ssyncadd.s32 @p0 $0xFFFFC000  }
0x94: {  	_ =	swait.ge @p0 [sflag:s10], $0x4000  }
0x95: {  	[sflag:s10] =	ssyncset.done @p0 $0x0  }
0x96: {  	[sflag:s10] =	ssyncadd.s32 @p0 $0xFFFFC000  }
0x97: {  	_ =	swait.ge @p0 [sflag:s10], $0x4000  }
0x98: {  	[sflag:s10] =	ssyncset.done @p0 $0x0  }
0x99: {  	[sflag:s10] =	ssyncadd.s32 @p0 $0xFFFFC000  }
0x9a: {  	[hbm4b:s4+s2] =	stream.linear.scatter @p0 [tilespmem:s6], [sflag:$0x2], $0x10000, $0x38;
	[tilespmem:$0x10400] =	vst v63  }
0x9b: {  	_ =	swait.ge @p0 [sflag:s5], $0x10000  }
0x9c: {  	[sflag:s5] =	ssyncset.done @p0 $0x0  }
0x9d: {  	[sflag:s5] =	ssyncadd.s32 @p0 $0xFFFF0000  }
0x9e: {  	[tilespmem:s2], [sflag:$0x2] =	stream.linear.gather [hbm4b:s16+s2], $0x200, $0x38;
	[tilespmem:$0x10400] =	vst v63  }
0x9f: {  	_ =	swait.ge [sflag:s5], $0x200  }
0xa0: {  	[sflag:s5] =	ssyncset.done $0x0  }
0xa1: {  	[sflag:s5] =	ssyncadd.s32 $0xFFFFFE00  }
0xa2: {  	v32 =	vld [tilespmem:$0x150]  }
0xa3: {  	v33 =	vld [tilespmem:$0x140]  }
0xa4: {  	v34 =	vld [tilespmem:$0x170]  }
0xa5: {  	v35 =	vld [tilespmem:$0x130]  }
0xa6: {  	v36 =	vld [tilespmem:$0xE0]  }
0xa7: {  	v37 =	vld [tilespmem:$0x120];
	vm0 =	veq.s32 v32, v31  }
0xa8: {  	v48 =	vld [tilespmem:$0x180];
	vm1 =	veq.s32 v33, v29;
	v47 =	vsel vm0, $0x400, v32  }
0xa9: {  	v50 =	vld [tilespmem:$0x190];
	vm10 =	veq.s32 v34, v30;
	v49 =	vsel vm1, $0x400, v33;
	[tilespmem:$0x350] =	vst v47  }
0xaa: {  	v52 =	vld [tilespmem:$0x1F0];
	vm11 =	veq.s32 v35, v27;
	v51 =	vsel vm10, $0x400, v34;
	[tilespmem:$0x340] =	vst v49  }
0xab: {  	v54 =	vld [tilespmem:$0x1C0];
	vm12 =	veq.s32 v36, v20;
	v53 =	vsel vm11, $0x400, v35;
	[tilespmem:$0x370] =	vst v51  }
0xac: {  	v56 =	vld [tilespmem:$0x1A0];
	vm13 =	veq.s32 v37, v23;
	v55 =	vsel vm12, $0x400, v36;
	[tilespmem:$0x330] =	vst v53  }
0xad: {  	v57 =	vld [tilespmem:$0x1D0];
	vm14 =	veq.s32 v48, v26;
	v23 =	vsel vm13, $0x400, v37;
	[tilespmem:$0x2E0] =	vst v55  }
0xae: {  	v59 =	vld [tilespmem:$0x1B0];
	vm15 =	veq.s32 v50, v25;
	v58 =	vsel vm14, $0x400, v48;
	[tilespmem:$0x320] =	vst v23  }
0xaf: {  	v60 =	vld [tilespmem:$0x50];
	vm4 =	veq.s32 v52, v28;
	v61 =	vsel vm15, $0x400, v50;
	[tilespmem:$0x380] =	vst v58  }
0xb0: {  	v62 =	vld [tilespmem:$0x40];
	vm5 =	veq.s32 v54, v24;
	v63 =	vsel vm4, $0x400, v52;
	[tilespmem:$0x390] =	vst v61  }
0xb1: {  	v40 =	vld [tilespmem:$0xB0];
	vm6 =	veq.s32 v56, v21;
	v30 =	vsel vm5, $0x400, v54;
	[tilespmem:$0x3F0] =	vst v63  }
0xb2: {  	v44 =	vld [tilespmem:$0x1E0];
	vm7 =	veq.s32 v57, v22;
	v20 =	vsel vm6, $0x400, v56;
	[tilespmem:$0x3C0] =	vst v30  }
0xb3: {  	v46 =	vld [tilespmem:$0xD0];
	vm8 =	veq.s32 v59, v19;
	v34 =	vsel vm7, $0x400, v57;
	[tilespmem:$0x3A0] =	vst v20  }
0xb4: {  	v42 =	vld [tilespmem:$0x60];
	vm9 =	veq.s32 v60, v17;
	v36 =	vsel vm8, $0x400, v59;
	[tilespmem:$0x3D0] =	vst v34  }
0xb5: {  	v29 =	vld [tilespmem:$0x20];
	vm10 =	veq.s32 v62, v16;
	v38 =	vsel vm9, $0x400, v60;
	[tilespmem:$0x3B0] =	vst v36  }
0xb6: {  	v32 =	vld [tilespmem:$0x80];
	vm4 =	veq.s32 v40, v11;
	v39 =	vsel vm10, $0x400, v62;
	[tilespmem:$0x250] =	vst v38  }
0xb7: {  	v33 =	vld [tilespmem:$0x70];
	vm6 =	veq.s32 v44, v18;
	v49 =	vsel vm4, $0x400, v40;
	[tilespmem:$0x240] =	vst v39  }
0xb8: {  	v35 =	vld [tilespmem:$0xA0];
	vm7 =	veq.s32 v46, v10;
	v53 =	vsel vm6, $0x400, v44;
	[tilespmem:$0x2B0] =	vst v49  }
0xb9: {  	v37 =	vld [tilespmem:$0x30];
	vm5 =	veq.s32 v42, v8;
	v55 =	vsel vm7, $0x400, v46;
	[tilespmem:$0x3E0] =	vst v53  }
0xba: {  	v48 =	vld [tilespmem:$0x10];
	[tilespmem:$0x2D0] =	vst v55;
	vm11 =	veq.s32 v29, v12;
	v12 =	vsel vm5, $0x400, v42  }
0xbb: {  	v50 =	vld [tilespmem:$0xC0];
	v41 =	vsel vm11, $0x400, v29;
	vm12 =	veq.s32 v32, v15;
	[tilespmem:$0x260] =	vst v12  }
0xbc: {  	v47 =	vld [tilespmem:$0x90];
	vm13 =	veq.s32 v33, v13;
	[tilespmem:$0x220] =	vst v41;
	v43 =	vsel vm12, $0x400, v32  }
0xbd: {  	v51 =	vld [tilespmem:$0x100];
	vm14 =	veq.s32 v35, v14;
	v45 =	vsel vm13, $0x400, v33;
	[tilespmem:$0x280] =	vst v43  }
0xbe: {  	v52 =	vld [tilespmem:$0xF0];
	vm15 =	veq.s32 v37, v9;
	v14 =	vsel vm14, $0x400, v35;
	[tilespmem:$0x270] =	vst v45  }
0xbf: {  	v54 =	vld [tilespmem:$0x0];
	vm9 =	veq.s32 v48, v0;
	v19 =	vsel vm15, $0x400, v37;
	[tilespmem:$0x2A0] =	vst v14  }
0xc0: {  	v57 =	vld [tilespmem:$0x160];
	vm10 =	veq.s32 v50, v3;
	v58 =	vsel vm9, $0x400, v48;
	[tilespmem:$0x230] =	vst v19  }
0xc1: {  	v59 =	vld [tilespmem:$0x110];
	vm8 =	veq.s32 v47, v5;
	v3 =	vsel vm10, $0x400, v50;
	[tilespmem:$0x210] =	vst v58  }
0xc2: {  	vm11 =	veq.s32 v51, v6;
	v56 =	vsel vm8, $0x400, v47;
	[tilespmem:$0x2C0] =	vst v3  }
0xc3: {  	vm12 =	veq.s32 v52, v4;
	v60 =	vsel vm11, $0x400, v51;
	[tilespmem:$0x290] =	vst v56  }
0xc4: {  	vm13 =	veq.s32 v54, v2;
	v61 =	vsel vm12, $0x400, v52;
	[tilespmem:$0x300] =	vst v60  }
0xc5: {  	vm14 =	veq.s32 v57, v7;
	v62 =	vsel vm13, $0x400, v54;
	[tilespmem:$0x2F0] =	vst v61  }
0xc6: {  	vm15 =	veq.s32 v59, v1;
	v63 =	vsel vm14, $0x400, v57;
	[tilespmem:$0x200] =	vst v62  }
0xc7: {  	v0 =	vsel vm15, $0x400, v59;
	[tilespmem:$0x360] =	vst v63  }
0xc8: {  	[tilespmem:$0x310] =	vst v0  }
0xc9: {  	[tilespmem:s6], [sflag:$0x1] =	stream.indirect.gather [hbm4b:s3+s7], $0x80, s8, s7, $0xb8;
	[tilespmem:$0x10400] =	vst v63  }
0xca: {  	_ = 	snop  }
0xcb: {  	[tilespmem:s11], [sflag:$0x1] =	stream.indirect.gather [hbm4b:s3+s7], $0x80, s9, s7, $0xb8;
	[tilespmem:$0x10400] =	vst v63  }
0xcc: {  	_ = 	snop  }
0xcd: {  	[tilespmem:s13], [sflag:$0x1] =	stream.indirect.gather [hbm4b:s3+s7], $0x80, s12, s7, $0xb8;
	[tilespmem:$0x10400] =	vst v63  }
0xce: {  	_ = 	snop  }
0xcf: {  	[tilespmem:s15], [sflag:$0x1] =	stream.indirect.gather [hbm4b:s3+s7], $0x80, s14, s7, $0xb8;
	[tilespmem:$0x10400] =	vst v63  }
0xd0: {  	_ =	swait.ge [sflag:s10], $0x4000  }
0xd1: {  	[sflag:s10] =	ssyncset.done $0x0  }
0xd2: {  	[sflag:s10] =	ssyncadd.s32 $0xFFFFC000  }
0xd3: {  	_ =	swait.ge [sflag:s10], $0x4000  }
0xd4: {  	[sflag:s10] =	ssyncset.done $0x0  }
0xd5: {  	[sflag:s10] =	ssyncadd.s32 $0xFFFFC000  }
0xd6: {  	_ =	swait.ge [sflag:s10], $0x4000  }
0xd7: {  	[sflag:s10] =	ssyncset.done $0x0  }
0xd8: {  	[sflag:s10] =	ssyncadd.s32 $0xFFFFC000  }
0xd9: {  	_ =	swait.ge [sflag:s10], $0x4000  }
0xda: {  	[sflag:s10] =	ssyncset.done $0x0  }
0xdb: {  	[sflag:s10] =	ssyncadd.s32 $0xFFFFC000  }
0xdc: {  	[hbm4b:s4+s2] =	stream.linear.scatter [tilespmem:s6], [sflag:$0x2], $0x10000, $0x38;
	[tilespmem:$0x10400] =	vst v63  }
0xdd: {  	_ =	swait.ge [sflag:s5], $0x10000  }
0xde: {  	[sflag:s5] =	ssyncset.done $0x0  }
0xdf: {  	[sflag:s5] =	ssyncadd.s32 $0xFFFF0000  }
0xe0: {  	_ =	sfence.sel $0x180000  }
0xe1: {  	[bflag:$0x0] =	sbarrier.arrive $0xFFFF  }
0xe2: {  	p0 =	sne.s32 s1, $0x0;
	_ =	strace $0x90000047  }
0xe3: {  	s0 =	sadd.s32 @!p0 $0x100000, s0;
	[bflag:$0x2] =	sbarrier.arrive $0xFFFF  }
0xe4: {  	[sflag:s0] =	ssyncadd.tile.s32 @!p0 $0x1;
	_ =	shalt  }
.Lfunc_end2:
_tile_overlayer_lowered:
.L_overlay_start_2:
0xe5: {  	(tag) =	ssettag $0x2  }
0xe6: {  	s0 =	rddreg [dreg:$0x0];
	s2 =	stileid.u32  }
0xe7: {  	s1 =	rddreg [dreg:$0x1];
	p0 =	sne.s32 s2, $0x0  }
0xe8: {  	s3 =	rddreg [dreg:$0x2];
	[bflag:$0x3] =	sbarrier.arrive $0xFFFF;
	s2 =	simm.s32 @!p0 $0x1C02  }
0xe9: {  	[timem:s3], [sflag:s2] =	dma.local @!p0 [hbm:s0], s1  }
0xea: {  	s0 =	simm.s32 @!p0 $0x2  }
0xeb: {  	_ =	swait.ge @!p0 [sflag:s0], s1  }
0xec: {  	s1 =	ssub.s32 @!p0 $0x0, s1;
	[sflag:s0] =	ssyncset.done @!p0 $0x0  }
0xed: {  	[sflag:s0] =	ssyncadd.s32 @!p0 s1  }
0xee: {  	[bflag:$0x3] =	sbarrier.arrive $0xFFFF  }
0xef: {  	_ =	shalt  }

</sc_bundles>
